<compile_context>
chip_gen: v7x
topology: tpu7x:2x2x1
jax: 0.10.2.dev20260603
libtpu: 0.0.44.dev20260713+nightly
codegen_flags: <defaults>
</compile_context>

<pallas_src>
import functools

import jax
import jax.numpy as jnp
from jax import lax
from jax.experimental import pallas as pl
from jax.experimental.pallas import tpu as pltpu
from jax.experimental.pallas import tpu_sc as plsc

_B = 4
_T = 2048
_D = 128
_NB = _B * _T
_NW = 32
_BPW = _NB // _NW
_WPB = _T // _BPW
_CH = 32
_NCH = _BPW // _CH

_mesh = plsc.VectorSubcoreMesh(core_axis_name="c", subcore_axis_name="s")


@functools.partial(
    pl.kernel,
    mesh=_mesh,
    out_type=jax.ShapeDtypeStruct((_B, _T, _D), jnp.float32),
    scratch_types=(
        [pltpu.VMEM((_BPW,), jnp.int32)]
        + [pltpu.VMEM((_CH, _D), jnp.float32) for _ in range(_NCH)]
        + [pltpu.SemaphoreType.DMA for _ in range(2 * _NCH)]
        + [pltpu.SemaphoreType.DMA, pltpu.SemaphoreType.DMA]
    ),
)
def _embed(x_hbm, tok_hbm, pos_hbm, out_hbm, idx_v, *bufs_and_sems):
    accs = bufs_and_sems[:_NCH]
    psems = bufs_and_sems[_NCH:2 * _NCH]
    gsems = bufs_and_sems[2 * _NCH:3 * _NCH]
    osem = bufs_and_sems[3 * _NCH]
    isem = bufs_and_sems[3 * _NCH + 1]

    wid = lax.axis_index("s") * 2 + lax.axis_index("c")
    b = lax.div(wid, _WPB)
    col0 = lax.rem(wid, _WPB) * _BPW
    base = wid * _BPW

    icp = pltpu.async_copy(x_hbm.at[pl.ds(base, _BPW)], idx_v, isem)
    pcps = [
        pltpu.async_copy(pos_hbm.at[pl.ds(col0 + c * _CH, _CH)],
                         accs[c], psems[c])
        for c in range(_NCH)
    ]
    icp.wait()
    gcps = []
    for c in range(_NCH):
        pcps[c].wait()
        gcps.append(pltpu.async_copy(
            tok_hbm.at[idx_v.at[pl.ds(c * _CH, _CH)]],
            accs[c], gsems[c], add=True))

    ocps = []
    for c in range(_NCH):
        gcps[c].wait()
        ocps.append(pltpu.async_copy(
            accs[c], out_hbm.at[b, pl.ds(col0 + c * _CH, _CH)], osem))

    for c in range(_NCH):
        ocps[c].wait()


def kernel(x, tok_table, pos_table):
    x_flat = x.reshape(-1).astype(jnp.int32)
    return _embed(x_flat, tok_table, pos_table)

# --- scband reference (transcript-rebuilt; emitter-appended) ---
"""Pipeline reference for scband-embedding-layer-75514114998327 (READ-ONLY COPY).

The authoritative reference and input builder live on the scoring server;
editing this copy changes nothing except your own understanding.
"""

import jax, jax.numpy as jnp
import numpy as np

VOCAB = 100000
N_CTX = 2048
D_MODEL = 128
B = 4
T = 2048

def setup_inputs(seed: int = 0) -> dict:
    key = jax.random.key(seed)
    k1, k2, k3 = jax.random.split(key, 3)
    x = jax.random.randint(k1, (B, T), 0, VOCAB, dtype=jnp.int64 if jax.config.jax_enable_x64 else jnp.int32)
    tok_table = jax.random.normal(k2, (VOCAB, D_MODEL), dtype=jnp.float32)
    pos_table = jax.random.normal(k3, (N_CTX, D_MODEL), dtype=jnp.float32)
    return {"x": x, "tok_table": tok_table, "pos_table": pos_table}

def reference(x, tok_table, pos_table):
    T_cur = x.shape[1]
    tok_embed = jnp.take(tok_table, x, axis=0)                 # [B, T, D]
    pos_idx = jnp.arange(T_cur)
    pos_embed = jnp.take(pos_table, pos_idx, axis=0)           # [T, D]
    out = tok_embed + pos_embed[None, :, :]
    # dropout p=0.0 -> identity in eval/inference
    return out

if __name__ == "__main__":
    import jax
    _d = setup_inputs()
    print(jax.jit(kernel)(*tuple(_d.values())))

</pallas_src>

<mosaic_0001>
#map = affine_map<(d0, d1) -> (0)>
#map1 = affine_map<(d0, d1) -> (0, 0)>
#map2 = affine_map<(d0, d1) -> (0, 0, 0)>
module attributes {stable_mosaic.version = 14 : i64} {
  func.func @_embed(%arg0: i32, %arg1: i32, %arg2: memref<8192xi32, #tpu.memory_space<hbm>>, %arg3: memref<100000x128xf32, #tpu.memory_space<hbm>>, %arg4: memref<2048x128xf32, #tpu.memory_space<hbm>>, %arg5: memref<4x2048x128xf32, #tpu.memory_space<hbm>>, %arg6: memref<256xi32, #tpu.memory_space<vmem>>, %arg7: memref<32x128xf32, #tpu.memory_space<vmem>>, %arg8: memref<32x128xf32, #tpu.memory_space<vmem>>, %arg9: memref<32x128xf32, #tpu.memory_space<vmem>>, %arg10: memref<32x128xf32, #tpu.memory_space<vmem>>, %arg11: memref<32x128xf32, #tpu.memory_space<vmem>>, %arg12: memref<32x128xf32, #tpu.memory_space<vmem>>, %arg13: memref<32x128xf32, #tpu.memory_space<vmem>>, %arg14: memref<32x128xf32, #tpu.memory_space<vmem>>, %arg15: memref<!tpu.dma_semaphore, #tpu.memory_space<semaphore_mem>>, %arg16: memref<!tpu.dma_semaphore, #tpu.memory_space<semaphore_mem>>, %arg17: memref<!tpu.dma_semaphore, #tpu.memory_space<semaphore_mem>>, %arg18: memref<!tpu.dma_semaphore, #tpu.memory_space<semaphore_mem>>, %arg19: memref<!tpu.dma_semaphore, #tpu.memory_space<semaphore_mem>>, %arg20: memref<!tpu.dma_semaphore, #tpu.memory_space<semaphore_mem>>, %arg21: memref<!tpu.dma_semaphore, #tpu.memory_space<semaphore_mem>>, %arg22: memref<!tpu.dma_semaphore, #tpu.memory_space<semaphore_mem>>, %arg23: memref<!tpu.dma_semaphore, #tpu.memory_space<semaphore_mem>>, %arg24: memref<!tpu.dma_semaphore, #tpu.memory_space<semaphore_mem>>, %arg25: memref<!tpu.dma_semaphore, #tpu.memory_space<semaphore_mem>>, %arg26: memref<!tpu.dma_semaphore, #tpu.memory_space<semaphore_mem>>, %arg27: memref<!tpu.dma_semaphore, #tpu.memory_space<semaphore_mem>>, %arg28: memref<!tpu.dma_semaphore, #tpu.memory_space<semaphore_mem>>, %arg29: memref<!tpu.dma_semaphore, #tpu.memory_space<semaphore_mem>>, %arg30: memref<!tpu.dma_semaphore, #tpu.memory_space<semaphore_mem>>, %arg31: memref<!tpu.dma_semaphore, #tpu.memory_space<semaphore_mem>>, %arg32: memref<!tpu.dma_semaphore, #tpu.memory_space<semaphore_mem>>) attributes {dimension_semantics = [#tpu.dimension_semantics<core_parallel>, #tpu.dimension_semantics<subcore_parallel>], iteration_bounds = array<i64: 2, 16>, scalar_prefetch = 0 : i64, scratch_operands = 27 : i64, tpu.core_type = #tpu.core_type<sc_vector_subcore>, window_params = [{transform_indices = #map}, {transform_indices = #map1}, {transform_indices = #map1}, {transform_indices = #map2}]} {
    %mul3A = arith.constant 2 : i32
    %mul3A_0 = arith.muli %arg1, %mul3A : i32
    %add3A = arith.addi %mul3A_0, %arg0 : i32
    %div3A = arith.constant 8 : i32
    %div3A_1 = arith.divsi %add3A, %div3A : i32
    %rem3A = arith.constant 8 : i32
    %rem3A_2 = arith.remsi %add3A, %rem3A : i32
    %mul3A_3 = arith.constant 256 : i32
    %mul3A_4 = arith.muli %rem3A_2, %mul3A_3 : i32
    %mul3A_5 = arith.constant 256 : i32
    %mul3A_6 = arith.muli %add3A, %mul3A_5 : i32
    %dma_start3A = tpu.memref_slice %arg2[%mul3A_6] : memref<8192xi32, #tpu.memory_space<hbm>> -> memref<256xi32, #tpu.memory_space<hbm>>
    %dma_start3A_7 = tpu.memref_slice %arg2[%mul3A_6] : memref<8192xi32, #tpu.memory_space<hbm>> -> memref<256xi32, #tpu.memory_space<hbm>>
    tpu.enqueue_dma source(%dma_start3A_7 : memref<256xi32, #tpu.memory_space<hbm>>) target(%arg6 : memref<256xi32, #tpu.memory_space<vmem>>) target_semaphore(%arg32 : memref<!tpu.dma_semaphore, #tpu.memory_space<semaphore_mem>>)
    %add3A_8 = arith.constant 0 : i32
    %add3A_9 = arith.addi %mul3A_4, %add3A_8 : i32
    %dma_start3A_10 = arith.constant 0 : i32
    %dma_start3A_11 = tpu.memref_slice %arg4[%add3A_9, %dma_start3A_10] : memref<2048x128xf32, #tpu.memory_space<hbm>> -> memref<32x128xf32, #tpu.memory_space<hbm>>
    %dma_start3A_12 = arith.constant 0 : i32
    %dma_start3A_13 = tpu.memref_slice %arg4[%add3A_9, %dma_start3A_12] : memref<2048x128xf32, #tpu.memory_space<hbm>> -> memref<32x128xf32, #tpu.memory_space<hbm>>
    tpu.enqueue_dma source(%dma_start3A_13 : memref<32x128xf32, #tpu.memory_space<hbm>>) target(%arg7 : memref<32x128xf32, #tpu.memory_space<vmem>>) target_semaphore(%arg15 : memref<!tpu.dma_semaphore, #tpu.memory_space<semaphore_mem>>)
    %add3A_14 = arith.constant 32 : i32
    %add3A_15 = arith.addi %mul3A_4, %add3A_14 : i32
    %dma_start3A_16 = arith.constant 0 : i32
    %dma_start3A_17 = tpu.memref_slice %arg4[%add3A_15, %dma_start3A_16] : memref<2048x128xf32, #tpu.memory_space<hbm>> -> memref<32x128xf32, #tpu.memory_space<hbm>>
    %dma_start3A_18 = arith.constant 0 : i32
    %dma_start3A_19 = tpu.memref_slice %arg4[%add3A_15, %dma_start3A_18] : memref<2048x128xf32, #tpu.memory_space<hbm>> -> memref<32x128xf32, #tpu.memory_space<hbm>>
    tpu.enqueue_dma source(%dma_start3A_19 : memref<32x128xf32, #tpu.memory_space<hbm>>) target(%arg8 : memref<32x128xf32, #tpu.memory_space<vmem>>) target_semaphore(%arg16 : memref<!tpu.dma_semaphore, #tpu.memory_space<semaphore_mem>>)
    %add3A_20 = arith.constant 64 : i32
    %add3A_21 = arith.addi %mul3A_4, %add3A_20 : i32
    %dma_start3A_22 = arith.constant 0 : i32
    %dma_start3A_23 = tpu.memref_slice %arg4[%add3A_21, %dma_start3A_22] : memref<2048x128xf32, #tpu.memory_space<hbm>> -> memref<32x128xf32, #tpu.memory_space<hbm>>
    %dma_start3A_24 = arith.constant 0 : i32
    %dma_start3A_25 = tpu.memref_slice %arg4[%add3A_21, %dma_start3A_24] : memref<2048x128xf32, #tpu.memory_space<hbm>> -> memref<32x128xf32, #tpu.memory_space<hbm>>
    tpu.enqueue_dma source(%dma_start3A_25 : memref<32x128xf32, #tpu.memory_space<hbm>>) target(%arg9 : memref<32x128xf32, #tpu.memory_space<vmem>>) target_semaphore(%arg17 : memref<!tpu.dma_semaphore, #tpu.memory_space<semaphore_mem>>)
    %add3A_26 = arith.constant 96 : i32
    %add3A_27 = arith.addi %mul3A_4, %add3A_26 : i32
    %dma_start3A_28 = arith.constant 0 : i32
    %dma_start3A_29 = tpu.memref_slice %arg4[%add3A_27, %dma_start3A_28] : memref<2048x128xf32, #tpu.memory_space<hbm>> -> memref<32x128xf32, #tpu.memory_space<hbm>>
    %dma_start3A_30 = arith.constant 0 : i32
    %dma_start3A_31 = tpu.memref_slice %arg4[%add3A_27, %dma_start3A_30] : memref<2048x128xf32, #tpu.memory_space<hbm>> -> memref<32x128xf32, #tpu.memory_space<hbm>>
    tpu.enqueue_dma source(%dma_start3A_31 : memref<32x128xf32, #tpu.memory_space<hbm>>) target(%arg10 : memref<32x128xf32, #tpu.memory_space<vmem>>) target_semaphore(%arg18 : memref<!tpu.dma_semaphore, #tpu.memory_space<semaphore_mem>>)
    %add3A_32 = arith.constant 128 : i32
    %add3A_33 = arith.addi %mul3A_4, %add3A_32 : i32
    %dma_start3A_34 = arith.constant 0 : i32
    %dma_start3A_35 = tpu.memref_slice %arg4[%add3A_33, %dma_start3A_34] : memref<2048x128xf32, #tpu.memory_space<hbm>> -> memref<32x128xf32, #tpu.memory_space<hbm>>
    %dma_start3A_36 = arith.constant 0 : i32
    %dma_start3A_37 = tpu.memref_slice %arg4[%add3A_33, %dma_start3A_36] : memref<2048x128xf32, #tpu.memory_space<hbm>> -> memref<32x128xf32, #tpu.memory_space<hbm>>
    tpu.enqueue_dma source(%dma_start3A_37 : memref<32x128xf32, #tpu.memory_space<hbm>>) target(%arg11 : memref<32x128xf32, #tpu.memory_space<vmem>>) target_semaphore(%arg19 : memref<!tpu.dma_semaphore, #tpu.memory_space<semaphore_mem>>)
    %add3A_38 = arith.constant 160 : i32
    %add3A_39 = arith.addi %mul3A_4, %add3A_38 : i32
    %dma_start3A_40 = arith.constant 0 : i32
    %dma_start3A_41 = tpu.memref_slice %arg4[%add3A_39, %dma_start3A_40] : memref<2048x128xf32, #tpu.memory_space<hbm>> -> memref<32x128xf32, #tpu.memory_space<hbm>>
    %dma_start3A_42 = arith.constant 0 : i32
    %dma_start3A_43 = tpu.memref_slice %arg4[%add3A_39, %dma_start3A_42] : memref<2048x128xf32, #tpu.memory_space<hbm>> -> memref<32x128xf32, #tpu.memory_space<hbm>>
    tpu.enqueue_dma source(%dma_start3A_43 : memref<32x128xf32, #tpu.memory_space<hbm>>) target(%arg12 : memref<32x128xf32, #tpu.memory_space<vmem>>) target_semaphore(%arg20 : memref<!tpu.dma_semaphore, #tpu.memory_space<semaphore_mem>>)
    %add3A_44 = arith.constant 192 : i32
    %add3A_45 = arith.addi %mul3A_4, %add3A_44 : i32
    %dma_start3A_46 = arith.constant 0 : i32
    %dma_start3A_47 = tpu.memref_slice %arg4[%add3A_45, %dma_start3A_46] : memref<2048x128xf32, #tpu.memory_space<hbm>> -> memref<32x128xf32, #tpu.memory_space<hbm>>
    %dma_start3A_48 = arith.constant 0 : i32
    %dma_start3A_49 = tpu.memref_slice %arg4[%add3A_45, %dma_start3A_48] : memref<2048x128xf32, #tpu.memory_space<hbm>> -> memref<32x128xf32, #tpu.memory_space<hbm>>
    tpu.enqueue_dma source(%dma_start3A_49 : memref<32x128xf32, #tpu.memory_space<hbm>>) target(%arg13 : memref<32x128xf32, #tpu.memory_space<vmem>>) target_semaphore(%arg21 : memref<!tpu.dma_semaphore, #tpu.memory_space<semaphore_mem>>)
    %add3A_50 = arith.constant 224 : i32
    %add3A_51 = arith.addi %mul3A_4, %add3A_50 : i32
    %dma_start3A_52 = arith.constant 0 : i32
    %dma_start3A_53 = tpu.memref_slice %arg4[%add3A_51, %dma_start3A_52] : memref<2048x128xf32, #tpu.memory_space<hbm>> -> memref<32x128xf32, #tpu.memory_space<hbm>>
    %dma_start3A_54 = arith.constant 0 : i32
    %dma_start3A_55 = tpu.memref_slice %arg4[%add3A_51, %dma_start3A_54] : memref<2048x128xf32, #tpu.memory_space<hbm>> -> memref<32x128xf32, #tpu.memory_space<hbm>>
    tpu.enqueue_dma source(%dma_start3A_55 : memref<32x128xf32, #tpu.memory_space<hbm>>) target(%arg14 : memref<32x128xf32, #tpu.memory_space<vmem>>) target_semaphore(%arg22 : memref<!tpu.dma_semaphore, #tpu.memory_space<semaphore_mem>>)
    %dma_wait3A = tpu.memref_slice %arg2[%mul3A_6] : memref<8192xi32, #tpu.memory_space<hbm>> -> memref<256xi32, #tpu.memory_space<hbm>>
    %dma_wait3A_56 = tpu.memref_slice %arg2[%mul3A_6] : memref<8192xi32, #tpu.memory_space<hbm>> -> memref<256xi32, #tpu.memory_space<hbm>>
    tpu.wait_dma2 semaphore(%arg32 : memref<!tpu.dma_semaphore, #tpu.memory_space<semaphore_mem>>) src(%dma_wait3A_56 : memref<256xi32, #tpu.memory_space<hbm>>) dst(%arg6 : memref<256xi32, #tpu.memory_space<vmem>>)
    %dma_wait3A_57 = arith.constant 0 : i32
    %dma_wait3A_58 = tpu.memref_slice %arg4[%add3A_9, %dma_wait3A_57] : memref<2048x128xf32, #tpu.memory_space<hbm>> -> memref<32x128xf32, #tpu.memory_space<hbm>>
    %dma_wait3A_59 = arith.constant 0 : i32
    %dma_wait3A_60 = tpu.memref_slice %arg4[%add3A_9, %dma_wait3A_59] : memref<2048x128xf32, #tpu.memory_space<hbm>> -> memref<32x128xf32, #tpu.memory_space<hbm>>
    tpu.wait_dma2 semaphore(%arg15 : memref<!tpu.dma_semaphore, #tpu.memory_space<semaphore_mem>>) src(%dma_wait3A_60 : memref<32x128xf32, #tpu.memory_space<hbm>>) dst(%arg7 : memref<32x128xf32, #tpu.memory_space<vmem>>)
    %dma_start3A_61 = arith.constant 0 : i32
    %dma_start3A_62 = tpu.memref_slice %arg6[%dma_start3A_61] : memref<256xi32, #tpu.memory_space<vmem>> -> memref<32xi32, #tpu.memory_space<vmem>>
    %dma_start3A_63 = arith.constant 0 : i32
    %dma_start3A_64 = arith.constant 0 : i32
    %dma_start3A_65 = tpu.memref_slice %arg3[%dma_start3A_63, %dma_start3A_64] : memref<100000x128xf32, #tpu.memory_space<hbm>> -> memref<100000x128xf32, #tpu.memory_space<hbm>>
    tpu.enqueue_indirect_dma source(%dma_start3A_65 : memref<100000x128xf32, #tpu.memory_space<hbm>>) target(%arg7 : memref<32x128xf32, #tpu.memory_space<vmem>>) offsets(%dma_start3A_62 : memref<32xi32, #tpu.memory_space<vmem>>) semaphore(%arg23 : memref<!tpu.dma_semaphore, #tpu.memory_space<semaphore_mem>>) {add = true}
    %dma_wait3A_66 = arith.constant 0 : i32
    %dma_wait3A_67 = tpu.memref_slice %arg4[%add3A_15, %dma_wait3A_66] : memref<2048x128xf32, #tpu.memory_space<hbm>> -> memref<32x128xf32, #tpu.memory_space<hbm>>
    %dma_wait3A_68 = arith.constant 0 : i32
    %dma_wait3A_69 = tpu.memref_slice %arg4[%add3A_15, %dma_wait3A_68] : memref<2048x128xf32, #tpu.memory_space<hbm>> -> memref<32x128xf32, #tpu.memory_space<hbm>>
    tpu.wait_dma2 semaphore(%arg16 : memref<!tpu.dma_semaphore, #tpu.memory_space<semaphore_mem>>) src(%dma_wait3A_69 : memref<32x128xf32, #tpu.memory_space<hbm>>) dst(%arg8 : memref<32x128xf32, #tpu.memory_space<vmem>>)
    %dma_start3A_70 = arith.constant 32 : i32
    %dma_start3A_71 = tpu.memref_slice %arg6[%dma_start3A_70] : memref<256xi32, #tpu.memory_space<vmem>> -> memref<32xi32, #tpu.memory_space<vmem>>
    %dma_start3A_72 = arith.constant 0 : i32
    %dma_start3A_73 = arith.constant 0 : i32
    %dma_start3A_74 = tpu.memref_slice %arg3[%dma_start3A_72, %dma_start3A_73] : memref<100000x128xf32, #tpu.memory_space<hbm>> -> memref<100000x128xf32, #tpu.memory_space<hbm>>
    tpu.enqueue_indirect_dma source(%dma_start3A_74 : memref<100000x128xf32, #tpu.memory_space<hbm>>) target(%arg8 : memref<32x128xf32, #tpu.memory_space<vmem>>) offsets(%dma_start3A_71 : memref<32xi32, #tpu.memory_space<vmem>>) semaphore(%arg24 : memref<!tpu.dma_semaphore, #tpu.memory_space<semaphore_mem>>) {add = true}
    %dma_wait3A_75 = arith.constant 0 : i32
    %dma_wait3A_76 = tpu.memref_slice %arg4[%add3A_21, %dma_wait3A_75] : memref<2048x128xf32, #tpu.memory_space<hbm>> -> memref<32x128xf32, #tpu.memory_space<hbm>>
    %dma_wait3A_77 = arith.constant 0 : i32
    %dma_wait3A_78 = tpu.memref_slice %arg4[%add3A_21, %dma_wait3A_77] : memref<2048x128xf32, #tpu.memory_space<hbm>> -> memref<32x128xf32, #tpu.memory_space<hbm>>
    tpu.wait_dma2 semaphore(%arg17 : memref<!tpu.dma_semaphore, #tpu.memory_space<semaphore_mem>>) src(%dma_wait3A_78 : memref<32x128xf32, #tpu.memory_space<hbm>>) dst(%arg9 : memref<32x128xf32, #tpu.memory_space<vmem>>)
    %dma_start3A_79 = arith.constant 64 : i32
    %dma_start3A_80 = tpu.memref_slice %arg6[%dma_start3A_79] : memref<256xi32, #tpu.memory_space<vmem>> -> memref<32xi32, #tpu.memory_space<vmem>>
    %dma_start3A_81 = arith.constant 0 : i32
    %dma_start3A_82 = arith.constant 0 : i32
    %dma_start3A_83 = tpu.memref_slice %arg3[%dma_start3A_81, %dma_start3A_82] : memref<100000x128xf32, #tpu.memory_space<hbm>> -> memref<100000x128xf32, #tpu.memory_space<hbm>>
    tpu.enqueue_indirect_dma source(%dma_start3A_83 : memref<100000x128xf32, #tpu.memory_space<hbm>>) target(%arg9 : memref<32x128xf32, #tpu.memory_space<vmem>>) offsets(%dma_start3A_80 : memref<32xi32, #tpu.memory_space<vmem>>) semaphore(%arg25 : memref<!tpu.dma_semaphore, #tpu.memory_space<semaphore_mem>>) {add = true}
    %dma_wait3A_84 = arith.constant 0 : i32
    %dma_wait3A_85 = tpu.memref_slice %arg4[%add3A_27, %dma_wait3A_84] : memref<2048x128xf32, #tpu.memory_space<hbm>> -> memref<32x128xf32, #tpu.memory_space<hbm>>
    %dma_wait3A_86 = arith.constant 0 : i32
    %dma_wait3A_87 = tpu.memref_slice %arg4[%add3A_27, %dma_wait3A_86] : memref<2048x128xf32, #tpu.memory_space<hbm>> -> memref<32x128xf32, #tpu.memory_space<hbm>>
    tpu.wait_dma2 semaphore(%arg18 : memref<!tpu.dma_semaphore, #tpu.memory_space<semaphore_mem>>) src(%dma_wait3A_87 : memref<32x128xf32, #tpu.memory_space<hbm>>) dst(%arg10 : memref<32x128xf32, #tpu.memory_space<vmem>>)
    %dma_start3A_88 = arith.constant 96 : i32
    %dma_start3A_89 = tpu.memref_slice %arg6[%dma_start3A_88] : memref<256xi32, #tpu.memory_space<vmem>> -> memref<32xi32, #tpu.memory_space<vmem>>
    %dma_start3A_90 = arith.constant 0 : i32
    %dma_start3A_91 = arith.constant 0 : i32
    %dma_start3A_92 = tpu.memref_slice %arg3[%dma_start3A_90, %dma_start3A_91] : memref<100000x128xf32, #tpu.memory_space<hbm>> -> memref<100000x128xf32, #tpu.memory_space<hbm>>
    tpu.enqueue_indirect_dma source(%dma_start3A_92 : memref<100000x128xf32, #tpu.memory_space<hbm>>) target(%arg10 : memref<32x128xf32, #tpu.memory_space<vmem>>) offsets(%dma_start3A_89 : memref<32xi32, #tpu.memory_space<vmem>>) semaphore(%arg26 : memref<!tpu.dma_semaphore, #tpu.memory_space<semaphore_mem>>) {add = true}
    %dma_wait3A_93 = arith.constant 0 : i32
    %dma_wait3A_94 = tpu.memref_slice %arg4[%add3A_33, %dma_wait3A_93] : memref<2048x128xf32, #tpu.memory_space<hbm>> -> memref<32x128xf32, #tpu.memory_space<hbm>>
    %dma_wait3A_95 = arith.constant 0 : i32
    %dma_wait3A_96 = tpu.memref_slice %arg4[%add3A_33, %dma_wait3A_95] : memref<2048x128xf32, #tpu.memory_space<hbm>> -> memref<32x128xf32, #tpu.memory_space<hbm>>
    tpu.wait_dma2 semaphore(%arg19 : memref<!tpu.dma_semaphore, #tpu.memory_space<semaphore_mem>>) src(%dma_wait3A_96 : memref<32x128xf32, #tpu.memory_space<hbm>>) dst(%arg11 : memref<32x128xf32, #tpu.memory_space<vmem>>)
    %dma_start3A_97 = arith.constant 128 : i32
    %dma_start3A_98 = tpu.memref_slice %arg6[%dma_start3A_97] : memref<256xi32, #tpu.memory_space<vmem>> -> memref<32xi32, #tpu.memory_space<vmem>>
    %dma_start3A_99 = arith.constant 0 : i32
    %dma_start3A_100 = arith.constant 0 : i32
    %dma_start3A_101 = tpu.memref_slice %arg3[%dma_start3A_99, %dma_start3A_100] : memref<100000x128xf32, #tpu.memory_space<hbm>> -> memref<100000x128xf32, #tpu.memory_space<hbm>>
    tpu.enqueue_indirect_dma source(%dma_start3A_101 : memref<100000x128xf32, #tpu.memory_space<hbm>>) target(%arg11 : memref<32x128xf32, #tpu.memory_space<vmem>>) offsets(%dma_start3A_98 : memref<32xi32, #tpu.memory_space<vmem>>) semaphore(%arg27 : memref<!tpu.dma_semaphore, #tpu.memory_space<semaphore_mem>>) {add = true}
    %dma_wait3A_102 = arith.constant 0 : i32
    %dma_wait3A_103 = tpu.memref_slice %arg4[%add3A_39, %dma_wait3A_102] : memref<2048x128xf32, #tpu.memory_space<hbm>> -> memref<32x128xf32, #tpu.memory_space<hbm>>
    %dma_wait3A_104 = arith.constant 0 : i32
    %dma_wait3A_105 = tpu.memref_slice %arg4[%add3A_39, %dma_wait3A_104] : memref<2048x128xf32, #tpu.memory_space<hbm>> -> memref<32x128xf32, #tpu.memory_space<hbm>>
    tpu.wait_dma2 semaphore(%arg20 : memref<!tpu.dma_semaphore, #tpu.memory_space<semaphore_mem>>) src(%dma_wait3A_105 : memref<32x128xf32, #tpu.memory_space<hbm>>) dst(%arg12 : memref<32x128xf32, #tpu.memory_space<vmem>>)
    %dma_start3A_106 = arith.constant 160 : i32
    %dma_start3A_107 = tpu.memref_slice %arg6[%dma_start3A_106] : memref<256xi32, #tpu.memory_space<vmem>> -> memref<32xi32, #tpu.memory_space<vmem>>
    %dma_start3A_108 = arith.constant 0 : i32
    %dma_start3A_109 = arith.constant 0 : i32
    %dma_start3A_110 = tpu.memref_slice %arg3[%dma_start3A_108, %dma_start3A_109] : memref<100000x128xf32, #tpu.memory_space<hbm>> -> memref<100000x128xf32, #tpu.memory_space<hbm>>
    tpu.enqueue_indirect_dma source(%dma_start3A_110 : memref<100000x128xf32, #tpu.memory_space<hbm>>) target(%arg12 : memref<32x128xf32, #tpu.memory_space<vmem>>) offsets(%dma_start3A_107 : memref<32xi32, #tpu.memory_space<vmem>>) semaphore(%arg28 : memref<!tpu.dma_semaphore, #tpu.memory_space<semaphore_mem>>) {add = true}
    %dma_wait3A_111 = arith.constant 0 : i32
    %dma_wait3A_112 = tpu.memref_slice %arg4[%add3A_45, %dma_wait3A_111] : memref<2048x128xf32, #tpu.memory_space<hbm>> -> memref<32x128xf32, #tpu.memory_space<hbm>>
    %dma_wait3A_113 = arith.constant 0 : i32
    %dma_wait3A_114 = tpu.memref_slice %arg4[%add3A_45, %dma_wait3A_113] : memref<2048x128xf32, #tpu.memory_space<hbm>> -> memref<32x128xf32, #tpu.memory_space<hbm>>
    tpu.wait_dma2 semaphore(%arg21 : memref<!tpu.dma_semaphore, #tpu.memory_space<semaphore_mem>>) src(%dma_wait3A_114 : memref<32x128xf32, #tpu.memory_space<hbm>>) dst(%arg13 : memref<32x128xf32, #tpu.memory_space<vmem>>)
    %dma_start3A_115 = arith.constant 192 : i32
    %dma_start3A_116 = tpu.memref_slice %arg6[%dma_start3A_115] : memref<256xi32, #tpu.memory_space<vmem>> -> memref<32xi32, #tpu.memory_space<vmem>>
    %dma_start3A_117 = arith.constant 0 : i32
    %dma_start3A_118 = arith.constant 0 : i32
    %dma_start3A_119 = tpu.memref_slice %arg3[%dma_start3A_117, %dma_start3A_118] : memref<100000x128xf32, #tpu.memory_space<hbm>> -> memref<100000x128xf32, #tpu.memory_space<hbm>>
    tpu.enqueue_indirect_dma source(%dma_start3A_119 : memref<100000x128xf32, #tpu.memory_space<hbm>>) target(%arg13 : memref<32x128xf32, #tpu.memory_space<vmem>>) offsets(%dma_start3A_116 : memref<32xi32, #tpu.memory_space<vmem>>) semaphore(%arg29 : memref<!tpu.dma_semaphore, #tpu.memory_space<semaphore_mem>>) {add = true}
    %dma_wait3A_120 = arith.constant 0 : i32
    %dma_wait3A_121 = tpu.memref_slice %arg4[%add3A_51, %dma_wait3A_120] : memref<2048x128xf32, #tpu.memory_space<hbm>> -> memref<32x128xf32, #tpu.memory_space<hbm>>
    %dma_wait3A_122 = arith.constant 0 : i32
    %dma_wait3A_123 = tpu.memref_slice %arg4[%add3A_51, %dma_wait3A_122] : memref<2048x128xf32, #tpu.memory_space<hbm>> -> memref<32x128xf32, #tpu.memory_space<hbm>>
    tpu.wait_dma2 semaphore(%arg22 : memref<!tpu.dma_semaphore, #tpu.memory_space<semaphore_mem>>) src(%dma_wait3A_123 : memref<32x128xf32, #tpu.memory_space<hbm>>) dst(%arg14 : memref<32x128xf32, #tpu.memory_space<vmem>>)
    %dma_start3A_124 = arith.constant 224 : i32
    %dma_start3A_125 = tpu.memref_slice %arg6[%dma_start3A_124] : memref<256xi32, #tpu.memory_space<vmem>> -> memref<32xi32, #tpu.memory_space<vmem>>
    %dma_start3A_126 = arith.constant 0 : i32
    %dma_start3A_127 = arith.constant 0 : i32
    %dma_start3A_128 = tpu.memref_slice %arg3[%dma_start3A_126, %dma_start3A_127] : memref<100000x128xf32, #tpu.memory_space<hbm>> -> memref<100000x128xf32, #tpu.memory_space<hbm>>
    tpu.enqueue_indirect_dma source(%dma_start3A_128 : memref<100000x128xf32, #tpu.memory_space<hbm>>) target(%arg14 : memref<32x128xf32, #tpu.memory_space<vmem>>) offsets(%dma_start3A_125 : memref<32xi32, #tpu.memory_space<vmem>>) semaphore(%arg30 : memref<!tpu.dma_semaphore, #tpu.memory_space<semaphore_mem>>) {add = true}
    %dma_wait3A_129 = arith.constant 0 : i32
    %dma_wait3A_130 = tpu.memref_slice %arg6[%dma_wait3A_129] : memref<256xi32, #tpu.memory_space<vmem>> -> memref<32xi32, #tpu.memory_space<vmem>>
    %dma_wait3A_131 = arith.constant 0 : i32
    %dma_wait3A_132 = arith.constant 0 : i32
    %dma_wait3A_133 = tpu.memref_slice %arg3[%dma_wait3A_131, %dma_wait3A_132] : memref<100000x128xf32, #tpu.memory_space<hbm>> -> memref<100000x128xf32, #tpu.memory_space<hbm>>
    tpu.wait_indirect_dma semaphore(%arg23 : memref<!tpu.dma_semaphore, #tpu.memory_space<semaphore_mem>>) src(%dma_wait3A_133 : memref<100000x128xf32, #tpu.memory_space<hbm>>) dst(%arg7 : memref<32x128xf32, #tpu.memory_space<vmem>>)
    %add3A_134 = arith.constant 0 : i32
    %add3A_135 = arith.addi %mul3A_4, %add3A_134 : i32
    %dma_start3A_136 = arith.constant 0 : i32
    %dma_start3A_137 = tpu.memref_slice %arg5[%div3A_1, %add3A_135, %dma_start3A_136] : memref<4x2048x128xf32, #tpu.memory_space<hbm>> -> memref<1x32x128xf32, #tpu.memory_space<hbm>>
    %dma_start3A_138 = tpu.memref_squeeze %dma_start3A_137 : memref<1x32x128xf32, #tpu.memory_space<hbm>> -> memref<32x128xf32, #tpu.memory_space<hbm>>
    %dma_start3A_139 = arith.constant 0 : i32
    %dma_start3A_140 = tpu.memref_slice %arg5[%div3A_1, %add3A_135, %dma_start3A_139] : memref<4x2048x128xf32, #tpu.memory_space<hbm>> -> memref<1x32x128xf32, #tpu.memory_space<hbm>>
    %dma_start3A_141 = tpu.memref_squeeze %dma_start3A_140 : memref<1x32x128xf32, #tpu.memory_space<hbm>> -> memref<32x128xf32, #tpu.memory_space<hbm>>
    tpu.enqueue_dma source(%arg7 : memref<32x128xf32, #tpu.memory_space<vmem>>) target(%dma_start3A_141 : memref<32x128xf32, #tpu.memory_space<hbm>>) target_semaphore(%arg31 : memref<!tpu.dma_semaphore, #tpu.memory_space<semaphore_mem>>)
    %dma_wait3A_142 = arith.constant 32 : i32
    %dma_wait3A_143 = tpu.memref_slice %arg6[%dma_wait3A_142] : memref<256xi32, #tpu.memory_space<vmem>> -> memref<32xi32, #tpu.memory_space<vmem>>
    %dma_wait3A_144 = arith.constant 0 : i32
    %dma_wait3A_145 = arith.constant 0 : i32
    %dma_wait3A_146 = tpu.memref_slice %arg3[%dma_wait3A_144, %dma_wait3A_145] : memref<100000x128xf32, #tpu.memory_space<hbm>> -> memref<100000x128xf32, #tpu.memory_space<hbm>>
    tpu.wait_indirect_dma semaphore(%arg24 : memref<!tpu.dma_semaphore, #tpu.memory_space<semaphore_mem>>) src(%dma_wait3A_146 : memref<100000x128xf32, #tpu.memory_space<hbm>>) dst(%arg8 : memref<32x128xf32, #tpu.memory_space<vmem>>)
    %add3A_147 = arith.constant 32 : i32
    %add3A_148 = arith.addi %mul3A_4, %add3A_147 : i32
    %dma_start3A_149 = arith.constant 0 : i32
    %dma_start3A_150 = tpu.memref_slice %arg5[%div3A_1, %add3A_148, %dma_start3A_149] : memref<4x2048x128xf32, #tpu.memory_space<hbm>> -> memref<1x32x128xf32, #tpu.memory_space<hbm>>
    %dma_start3A_151 = tpu.memref_squeeze %dma_start3A_150 : memref<1x32x128xf32, #tpu.memory_space<hbm>> -> memref<32x128xf32, #tpu.memory_space<hbm>>
    %dma_start3A_152 = arith.constant 0 : i32
    %dma_start3A_153 = tpu.memref_slice %arg5[%div3A_1, %add3A_148, %dma_start3A_152] : memref<4x2048x128xf32, #tpu.memory_space<hbm>> -> memref<1x32x128xf32, #tpu.memory_space<hbm>>
    %dma_start3A_154 = tpu.memref_squeeze %dma_start3A_153 : memref<1x32x128xf32, #tpu.memory_space<hbm>> -> memref<32x128xf32, #tpu.memory_space<hbm>>
    tpu.enqueue_dma source(%arg8 : memref<32x128xf32, #tpu.memory_space<vmem>>) target(%dma_start3A_154 : memref<32x128xf32, #tpu.memory_space<hbm>>) target_semaphore(%arg31 : memref<!tpu.dma_semaphore, #tpu.memory_space<semaphore_mem>>)
    %dma_wait3A_155 = arith.constant 64 : i32
    %dma_wait3A_156 = tpu.memref_slice %arg6[%dma_wait3A_155] : memref<256xi32, #tpu.memory_space<vmem>> -> memref<32xi32, #tpu.memory_space<vmem>>
    %dma_wait3A_157 = arith.constant 0 : i32
    %dma_wait3A_158 = arith.constant 0 : i32
    %dma_wait3A_159 = tpu.memref_slice %arg3[%dma_wait3A_157, %dma_wait3A_158] : memref<100000x128xf32, #tpu.memory_space<hbm>> -> memref<100000x128xf32, #tpu.memory_space<hbm>>
    tpu.wait_indirect_dma semaphore(%arg25 : memref<!tpu.dma_semaphore, #tpu.memory_space<semaphore_mem>>) src(%dma_wait3A_159 : memref<100000x128xf32, #tpu.memory_space<hbm>>) dst(%arg9 : memref<32x128xf32, #tpu.memory_space<vmem>>)
    %add3A_160 = arith.constant 64 : i32
    %add3A_161 = arith.addi %mul3A_4, %add3A_160 : i32
    %dma_start3A_162 = arith.constant 0 : i32
    %dma_start3A_163 = tpu.memref_slice %arg5[%div3A_1, %add3A_161, %dma_start3A_162] : memref<4x2048x128xf32, #tpu.memory_space<hbm>> -> memref<1x32x128xf32, #tpu.memory_space<hbm>>
    %dma_start3A_164 = tpu.memref_squeeze %dma_start3A_163 : memref<1x32x128xf32, #tpu.memory_space<hbm>> -> memref<32x128xf32, #tpu.memory_space<hbm>>
    %dma_start3A_165 = arith.constant 0 : i32
    %dma_start3A_166 = tpu.memref_slice %arg5[%div3A_1, %add3A_161, %dma_start3A_165] : memref<4x2048x128xf32, #tpu.memory_space<hbm>> -> memref<1x32x128xf32, #tpu.memory_space<hbm>>
    %dma_start3A_167 = tpu.memref_squeeze %dma_start3A_166 : memref<1x32x128xf32, #tpu.memory_space<hbm>> -> memref<32x128xf32, #tpu.memory_space<hbm>>
    tpu.enqueue_dma source(%arg9 : memref<32x128xf32, #tpu.memory_space<vmem>>) target(%dma_start3A_167 : memref<32x128xf32, #tpu.memory_space<hbm>>) target_semaphore(%arg31 : memref<!tpu.dma_semaphore, #tpu.memory_space<semaphore_mem>>)
    %dma_wait3A_168 = arith.constant 96 : i32
    %dma_wait3A_169 = tpu.memref_slice %arg6[%dma_wait3A_168] : memref<256xi32, #tpu.memory_space<vmem>> -> memref<32xi32, #tpu.memory_space<vmem>>
    %dma_wait3A_170 = arith.constant 0 : i32
    %dma_wait3A_171 = arith.constant 0 : i32
    %dma_wait3A_172 = tpu.memref_slice %arg3[%dma_wait3A_170, %dma_wait3A_171] : memref<100000x128xf32, #tpu.memory_space<hbm>> -> memref<100000x128xf32, #tpu.memory_space<hbm>>
    tpu.wait_indirect_dma semaphore(%arg26 : memref<!tpu.dma_semaphore, #tpu.memory_space<semaphore_mem>>) src(%dma_wait3A_172 : memref<100000x128xf32, #tpu.memory_space<hbm>>) dst(%arg10 : memref<32x128xf32, #tpu.memory_space<vmem>>)
    %add3A_173 = arith.constant 96 : i32
    %add3A_174 = arith.addi %mul3A_4, %add3A_173 : i32
    %dma_start3A_175 = arith.constant 0 : i32
    %dma_start3A_176 = tpu.memref_slice %arg5[%div3A_1, %add3A_174, %dma_start3A_175] : memref<4x2048x128xf32, #tpu.memory_space<hbm>> -> memref<1x32x128xf32, #tpu.memory_space<hbm>>
    %dma_start3A_177 = tpu.memref_squeeze %dma_start3A_176 : memref<1x32x128xf32, #tpu.memory_space<hbm>> -> memref<32x128xf32, #tpu.memory_space<hbm>>
    %dma_start3A_178 = arith.constant 0 : i32
    %dma_start3A_179 = tpu.memref_slice %arg5[%div3A_1, %add3A_174, %dma_start3A_178] : memref<4x2048x128xf32, #tpu.memory_space<hbm>> -> memref<1x32x128xf32, #tpu.memory_space<hbm>>
    %dma_start3A_180 = tpu.memref_squeeze %dma_start3A_179 : memref<1x32x128xf32, #tpu.memory_space<hbm>> -> memref<32x128xf32, #tpu.memory_space<hbm>>
    tpu.enqueue_dma source(%arg10 : memref<32x128xf32, #tpu.memory_space<vmem>>) target(%dma_start3A_180 : memref<32x128xf32, #tpu.memory_space<hbm>>) target_semaphore(%arg31 : memref<!tpu.dma_semaphore, #tpu.memory_space<semaphore_mem>>)
    %dma_wait3A_181 = arith.constant 128 : i32
    %dma_wait3A_182 = tpu.memref_slice %arg6[%dma_wait3A_181] : memref<256xi32, #tpu.memory_space<vmem>> -> memref<32xi32, #tpu.memory_space<vmem>>
    %dma_wait3A_183 = arith.constant 0 : i32
    %dma_wait3A_184 = arith.constant 0 : i32
    %dma_wait3A_185 = tpu.memref_slice %arg3[%dma_wait3A_183, %dma_wait3A_184] : memref<100000x128xf32, #tpu.memory_space<hbm>> -> memref<100000x128xf32, #tpu.memory_space<hbm>>
    tpu.wait_indirect_dma semaphore(%arg27 : memref<!tpu.dma_semaphore, #tpu.memory_space<semaphore_mem>>) src(%dma_wait3A_185 : memref<100000x128xf32, #tpu.memory_space<hbm>>) dst(%arg11 : memref<32x128xf32, #tpu.memory_space<vmem>>)
    %add3A_186 = arith.constant 128 : i32
    %add3A_187 = arith.addi %mul3A_4, %add3A_186 : i32
    %dma_start3A_188 = arith.constant 0 : i32
    %dma_start3A_189 = tpu.memref_slice %arg5[%div3A_1, %add3A_187, %dma_start3A_188] : memref<4x2048x128xf32, #tpu.memory_space<hbm>> -> memref<1x32x128xf32, #tpu.memory_space<hbm>>
    %dma_start3A_190 = tpu.memref_squeeze %dma_start3A_189 : memref<1x32x128xf32, #tpu.memory_space<hbm>> -> memref<32x128xf32, #tpu.memory_space<hbm>>
    %dma_start3A_191 = arith.constant 0 : i32
    %dma_start3A_192 = tpu.memref_slice %arg5[%div3A_1, %add3A_187, %dma_start3A_191] : memref<4x2048x128xf32, #tpu.memory_space<hbm>> -> memref<1x32x128xf32, #tpu.memory_space<hbm>>
    %dma_start3A_193 = tpu.memref_squeeze %dma_start3A_192 : memref<1x32x128xf32, #tpu.memory_space<hbm>> -> memref<32x128xf32, #tpu.memory_space<hbm>>
    tpu.enqueue_dma source(%arg11 : memref<32x128xf32, #tpu.memory_space<vmem>>) target(%dma_start3A_193 : memref<32x128xf32, #tpu.memory_space<hbm>>) target_semaphore(%arg31 : memref<!tpu.dma_semaphore, #tpu.memory_space<semaphore_mem>>)
    %dma_wait3A_194 = arith.constant 160 : i32
    %dma_wait3A_195 = tpu.memref_slice %arg6[%dma_wait3A_194] : memref<256xi32, #tpu.memory_space<vmem>> -> memref<32xi32, #tpu.memory_space<vmem>>
    %dma_wait3A_196 = arith.constant 0 : i32
    %dma_wait3A_197 = arith.constant 0 : i32
    %dma_wait3A_198 = tpu.memref_slice %arg3[%dma_wait3A_196, %dma_wait3A_197] : memref<100000x128xf32, #tpu.memory_space<hbm>> -> memref<100000x128xf32, #tpu.memory_space<hbm>>
    tpu.wait_indirect_dma semaphore(%arg28 : memref<!tpu.dma_semaphore, #tpu.memory_space<semaphore_mem>>) src(%dma_wait3A_198 : memref<100000x128xf32, #tpu.memory_space<hbm>>) dst(%arg12 : memref<32x128xf32, #tpu.memory_space<vmem>>)
    %add3A_199 = arith.constant 160 : i32
    %add3A_200 = arith.addi %mul3A_4, %add3A_199 : i32
    %dma_start3A_201 = arith.constant 0 : i32
    %dma_start3A_202 = tpu.memref_slice %arg5[%div3A_1, %add3A_200, %dma_start3A_201] : memref<4x2048x128xf32, #tpu.memory_space<hbm>> -> memref<1x32x128xf32, #tpu.memory_space<hbm>>
    %dma_start3A_203 = tpu.memref_squeeze %dma_start3A_202 : memref<1x32x128xf32, #tpu.memory_space<hbm>> -> memref<32x128xf32, #tpu.memory_space<hbm>>
    %dma_start3A_204 = arith.constant 0 : i32
    %dma_start3A_205 = tpu.memref_slice %arg5[%div3A_1, %add3A_200, %dma_start3A_204] : memref<4x2048x128xf32, #tpu.memory_space<hbm>> -> memref<1x32x128xf32, #tpu.memory_space<hbm>>
    %dma_start3A_206 = tpu.memref_squeeze %dma_start3A_205 : memref<1x32x128xf32, #tpu.memory_space<hbm>> -> memref<32x128xf32, #tpu.memory_space<hbm>>
    tpu.enqueue_dma source(%arg12 : memref<32x128xf32, #tpu.memory_space<vmem>>) target(%dma_start3A_206 : memref<32x128xf32, #tpu.memory_space<hbm>>) target_semaphore(%arg31 : memref<!tpu.dma_semaphore, #tpu.memory_space<semaphore_mem>>)
    %dma_wait3A_207 = arith.constant 192 : i32
    %dma_wait3A_208 = tpu.memref_slice %arg6[%dma_wait3A_207] : memref<256xi32, #tpu.memory_space<vmem>> -> memref<32xi32, #tpu.memory_space<vmem>>
    %dma_wait3A_209 = arith.constant 0 : i32
    %dma_wait3A_210 = arith.constant 0 : i32
    %dma_wait3A_211 = tpu.memref_slice %arg3[%dma_wait3A_209, %dma_wait3A_210] : memref<100000x128xf32, #tpu.memory_space<hbm>> -> memref<100000x128xf32, #tpu.memory_space<hbm>>
    tpu.wait_indirect_dma semaphore(%arg29 : memref<!tpu.dma_semaphore, #tpu.memory_space<semaphore_mem>>) src(%dma_wait3A_211 : memref<100000x128xf32, #tpu.memory_space<hbm>>) dst(%arg13 : memref<32x128xf32, #tpu.memory_space<vmem>>)
    %add3A_212 = arith.constant 192 : i32
    %add3A_213 = arith.addi %mul3A_4, %add3A_212 : i32
    %dma_start3A_214 = arith.constant 0 : i32
    %dma_start3A_215 = tpu.memref_slice %arg5[%div3A_1, %add3A_213, %dma_start3A_214] : memref<4x2048x128xf32, #tpu.memory_space<hbm>> -> memref<1x32x128xf32, #tpu.memory_space<hbm>>
    %dma_start3A_216 = tpu.memref_squeeze %dma_start3A_215 : memref<1x32x128xf32, #tpu.memory_space<hbm>> -> memref<32x128xf32, #tpu.memory_space<hbm>>
    %dma_start3A_217 = arith.constant 0 : i32
    %dma_start3A_218 = tpu.memref_slice %arg5[%div3A_1, %add3A_213, %dma_start3A_217] : memref<4x2048x128xf32, #tpu.memory_space<hbm>> -> memref<1x32x128xf32, #tpu.memory_space<hbm>>
    %dma_start3A_219 = tpu.memref_squeeze %dma_start3A_218 : memref<1x32x128xf32, #tpu.memory_space<hbm>> -> memref<32x128xf32, #tpu.memory_space<hbm>>
    tpu.enqueue_dma source(%arg13 : memref<32x128xf32, #tpu.memory_space<vmem>>) target(%dma_start3A_219 : memref<32x128xf32, #tpu.memory_space<hbm>>) target_semaphore(%arg31 : memref<!tpu.dma_semaphore, #tpu.memory_space<semaphore_mem>>)
    %dma_wait3A_220 = arith.constant 224 : i32
    %dma_wait3A_221 = tpu.memref_slice %arg6[%dma_wait3A_220] : memref<256xi32, #tpu.memory_space<vmem>> -> memref<32xi32, #tpu.memory_space<vmem>>
    %dma_wait3A_222 = arith.constant 0 : i32
    %dma_wait3A_223 = arith.constant 0 : i32
    %dma_wait3A_224 = tpu.memref_slice %arg3[%dma_wait3A_222, %dma_wait3A_223] : memref<100000x128xf32, #tpu.memory_space<hbm>> -> memref<100000x128xf32, #tpu.memory_space<hbm>>
    tpu.wait_indirect_dma semaphore(%arg30 : memref<!tpu.dma_semaphore, #tpu.memory_space<semaphore_mem>>) src(%dma_wait3A_224 : memref<100000x128xf32, #tpu.memory_space<hbm>>) dst(%arg14 : memref<32x128xf32, #tpu.memory_space<vmem>>)
    %add3A_225 = arith.constant 224 : i32
    %add3A_226 = arith.addi %mul3A_4, %add3A_225 : i32
    %dma_start3A_227 = arith.constant 0 : i32
    %dma_start3A_228 = tpu.memref_slice %arg5[%div3A_1, %add3A_226, %dma_start3A_227] : memref<4x2048x128xf32, #tpu.memory_space<hbm>> -> memref<1x32x128xf32, #tpu.memory_space<hbm>>
    %dma_start3A_229 = tpu.memref_squeeze %dma_start3A_228 : memref<1x32x128xf32, #tpu.memory_space<hbm>> -> memref<32x128xf32, #tpu.memory_space<hbm>>
    %dma_start3A_230 = arith.constant 0 : i32
    %dma_start3A_231 = tpu.memref_slice %arg5[%div3A_1, %add3A_226, %dma_start3A_230] : memref<4x2048x128xf32, #tpu.memory_space<hbm>> -> memref<1x32x128xf32, #tpu.memory_space<hbm>>
    %dma_start3A_232 = tpu.memref_squeeze %dma_start3A_231 : memref<1x32x128xf32, #tpu.memory_space<hbm>> -> memref<32x128xf32, #tpu.memory_space<hbm>>
    tpu.enqueue_dma source(%arg14 : memref<32x128xf32, #tpu.memory_space<vmem>>) target(%dma_start3A_232 : memref<32x128xf32, #tpu.memory_space<hbm>>) target_semaphore(%arg31 : memref<!tpu.dma_semaphore, #tpu.memory_space<semaphore_mem>>)
    %dma_wait3A_233 = arith.constant 0 : i32
    %dma_wait3A_234 = tpu.memref_slice %arg5[%div3A_1, %add3A_135, %dma_wait3A_233] : memref<4x2048x128xf32, #tpu.memory_space<hbm>> -> memref<1x32x128xf32, #tpu.memory_space<hbm>>
    %dma_wait3A_235 = tpu.memref_squeeze %dma_wait3A_234 : memref<1x32x128xf32, #tpu.memory_space<hbm>> -> memref<32x128xf32, #tpu.memory_space<hbm>>
    %dma_wait3A_236 = arith.constant 0 : i32
    %dma_wait3A_237 = tpu.memref_slice %arg5[%div3A_1, %add3A_135, %dma_wait3A_236] : memref<4x2048x128xf32, #tpu.memory_space<hbm>> -> memref<1x32x128xf32, #tpu.memory_space<hbm>>
    %dma_wait3A_238 = tpu.memref_squeeze %dma_wait3A_237 : memref<1x32x128xf32, #tpu.memory_space<hbm>> -> memref<32x128xf32, #tpu.memory_space<hbm>>
    tpu.wait_dma2 semaphore(%arg31 : memref<!tpu.dma_semaphore, #tpu.memory_space<semaphore_mem>>) src(%arg7 : memref<32x128xf32, #tpu.memory_space<vmem>>) dst(%dma_wait3A_238 : memref<32x128xf32, #tpu.memory_space<hbm>>)
    %dma_wait3A_239 = arith.constant 0 : i32
    %dma_wait3A_240 = tpu.memref_slice %arg5[%div3A_1, %add3A_148, %dma_wait3A_239] : memref<4x2048x128xf32, #tpu.memory_space<hbm>> -> memref<1x32x128xf32, #tpu.memory_space<hbm>>
    %dma_wait3A_241 = tpu.memref_squeeze %dma_wait3A_240 : memref<1x32x128xf32, #tpu.memory_space<hbm>> -> memref<32x128xf32, #tpu.memory_space<hbm>>
    %dma_wait3A_242 = arith.constant 0 : i32
    %dma_wait3A_243 = tpu.memref_slice %arg5[%div3A_1, %add3A_148, %dma_wait3A_242] : memref<4x2048x128xf32, #tpu.memory_space<hbm>> -> memref<1x32x128xf32, #tpu.memory_space<hbm>>
    %dma_wait3A_244 = tpu.memref_squeeze %dma_wait3A_243 : memref<1x32x128xf32, #tpu.memory_space<hbm>> -> memref<32x128xf32, #tpu.memory_space<hbm>>
    tpu.wait_dma2 semaphore(%arg31 : memref<!tpu.dma_semaphore, #tpu.memory_space<semaphore_mem>>) src(%arg8 : memref<32x128xf32, #tpu.memory_space<vmem>>) dst(%dma_wait3A_244 : memref<32x128xf32, #tpu.memory_space<hbm>>)
    %dma_wait3A_245 = arith.constant 0 : i32
    %dma_wait3A_246 = tpu.memref_slice %arg5[%div3A_1, %add3A_161, %dma_wait3A_245] : memref<4x2048x128xf32, #tpu.memory_space<hbm>> -> memref<1x32x128xf32, #tpu.memory_space<hbm>>
    %dma_wait3A_247 = tpu.memref_squeeze %dma_wait3A_246 : memref<1x32x128xf32, #tpu.memory_space<hbm>> -> memref<32x128xf32, #tpu.memory_space<hbm>>
    %dma_wait3A_248 = arith.constant 0 : i32
    %dma_wait3A_249 = tpu.memref_slice %arg5[%div3A_1, %add3A_161, %dma_wait3A_248] : memref<4x2048x128xf32, #tpu.memory_space<hbm>> -> memref<1x32x128xf32, #tpu.memory_space<hbm>>
    %dma_wait3A_250 = tpu.memref_squeeze %dma_wait3A_249 : memref<1x32x128xf32, #tpu.memory_space<hbm>> -> memref<32x128xf32, #tpu.memory_space<hbm>>
    tpu.wait_dma2 semaphore(%arg31 : memref<!tpu.dma_semaphore, #tpu.memory_space<semaphore_mem>>) src(%arg9 : memref<32x128xf32, #tpu.memory_space<vmem>>) dst(%dma_wait3A_250 : memref<32x128xf32, #tpu.memory_space<hbm>>)
    %dma_wait3A_251 = arith.constant 0 : i32
    %dma_wait3A_252 = tpu.memref_slice %arg5[%div3A_1, %add3A_174, %dma_wait3A_251] : memref<4x2048x128xf32, #tpu.memory_space<hbm>> -> memref<1x32x128xf32, #tpu.memory_space<hbm>>
    %dma_wait3A_253 = tpu.memref_squeeze %dma_wait3A_252 : memref<1x32x128xf32, #tpu.memory_space<hbm>> -> memref<32x128xf32, #tpu.memory_space<hbm>>
    %dma_wait3A_254 = arith.constant 0 : i32
    %dma_wait3A_255 = tpu.memref_slice %arg5[%div3A_1, %add3A_174, %dma_wait3A_254] : memref<4x2048x128xf32, #tpu.memory_space<hbm>> -> memref<1x32x128xf32, #tpu.memory_space<hbm>>
    %dma_wait3A_256 = tpu.memref_squeeze %dma_wait3A_255 : memref<1x32x128xf32, #tpu.memory_space<hbm>> -> memref<32x128xf32, #tpu.memory_space<hbm>>
    tpu.wait_dma2 semaphore(%arg31 : memref<!tpu.dma_semaphore, #tpu.memory_space<semaphore_mem>>) src(%arg10 : memref<32x128xf32, #tpu.memory_space<vmem>>) dst(%dma_wait3A_256 : memref<32x128xf32, #tpu.memory_space<hbm>>)
    %dma_wait3A_257 = arith.constant 0 : i32
    %dma_wait3A_258 = tpu.memref_slice %arg5[%div3A_1, %add3A_187, %dma_wait3A_257] : memref<4x2048x128xf32, #tpu.memory_space<hbm>> -> memref<1x32x128xf32, #tpu.memory_space<hbm>>
    %dma_wait3A_259 = tpu.memref_squeeze %dma_wait3A_258 : memref<1x32x128xf32, #tpu.memory_space<hbm>> -> memref<32x128xf32, #tpu.memory_space<hbm>>
    %dma_wait3A_260 = arith.constant 0 : i32
    %dma_wait3A_261 = tpu.memref_slice %arg5[%div3A_1, %add3A_187, %dma_wait3A_260] : memref<4x2048x128xf32, #tpu.memory_space<hbm>> -> memref<1x32x128xf32, #tpu.memory_space<hbm>>
    %dma_wait3A_262 = tpu.memref_squeeze %dma_wait3A_261 : memref<1x32x128xf32, #tpu.memory_space<hbm>> -> memref<32x128xf32, #tpu.memory_space<hbm>>
    tpu.wait_dma2 semaphore(%arg31 : memref<!tpu.dma_semaphore, #tpu.memory_space<semaphore_mem>>) src(%arg11 : memref<32x128xf32, #tpu.memory_space<vmem>>) dst(%dma_wait3A_262 : memref<32x128xf32, #tpu.memory_space<hbm>>)
    %dma_wait3A_263 = arith.constant 0 : i32
    %dma_wait3A_264 = tpu.memref_slice %arg5[%div3A_1, %add3A_200, %dma_wait3A_263] : memref<4x2048x128xf32, #tpu.memory_space<hbm>> -> memref<1x32x128xf32, #tpu.memory_space<hbm>>
    %dma_wait3A_265 = tpu.memref_squeeze %dma_wait3A_264 : memref<1x32x128xf32, #tpu.memory_space<hbm>> -> memref<32x128xf32, #tpu.memory_space<hbm>>
    %dma_wait3A_266 = arith.constant 0 : i32
    %dma_wait3A_267 = tpu.memref_slice %arg5[%div3A_1, %add3A_200, %dma_wait3A_266] : memref<4x2048x128xf32, #tpu.memory_space<hbm>> -> memref<1x32x128xf32, #tpu.memory_space<hbm>>
    %dma_wait3A_268 = tpu.memref_squeeze %dma_wait3A_267 : memref<1x32x128xf32, #tpu.memory_space<hbm>> -> memref<32x128xf32, #tpu.memory_space<hbm>>
    tpu.wait_dma2 semaphore(%arg31 : memref<!tpu.dma_semaphore, #tpu.memory_space<semaphore_mem>>) src(%arg12 : memref<32x128xf32, #tpu.memory_space<vmem>>) dst(%dma_wait3A_268 : memref<32x128xf32, #tpu.memory_space<hbm>>)
    %dma_wait3A_269 = arith.constant 0 : i32
    %dma_wait3A_270 = tpu.memref_slice %arg5[%div3A_1, %add3A_213, %dma_wait3A_269] : memref<4x2048x128xf32, #tpu.memory_space<hbm>> -> memref<1x32x128xf32, #tpu.memory_space<hbm>>
    %dma_wait3A_271 = tpu.memref_squeeze %dma_wait3A_270 : memref<1x32x128xf32, #tpu.memory_space<hbm>> -> memref<32x128xf32, #tpu.memory_space<hbm>>
    %dma_wait3A_272 = arith.constant 0 : i32
    %dma_wait3A_273 = tpu.memref_slice %arg5[%div3A_1, %add3A_213, %dma_wait3A_272] : memref<4x2048x128xf32, #tpu.memory_space<hbm>> -> memref<1x32x128xf32, #tpu.memory_space<hbm>>
    %dma_wait3A_274 = tpu.memref_squeeze %dma_wait3A_273 : memref<1x32x128xf32, #tpu.memory_space<hbm>> -> memref<32x128xf32, #tpu.memory_space<hbm>>
    tpu.wait_dma2 semaphore(%arg31 : memref<!tpu.dma_semaphore, #tpu.memory_space<semaphore_mem>>) src(%arg13 : memref<32x128xf32, #tpu.memory_space<vmem>>) dst(%dma_wait3A_274 : memref<32x128xf32, #tpu.memory_space<hbm>>)
    %dma_wait3A_275 = arith.constant 0 : i32
    %dma_wait3A_276 = tpu.memref_slice %arg5[%div3A_1, %add3A_226, %dma_wait3A_275] : memref<4x2048x128xf32, #tpu.memory_space<hbm>> -> memref<1x32x128xf32, #tpu.memory_space<hbm>>
    %dma_wait3A_277 = tpu.memref_squeeze %dma_wait3A_276 : memref<1x32x128xf32, #tpu.memory_space<hbm>> -> memref<32x128xf32, #tpu.memory_space<hbm>>
    %dma_wait3A_278 = arith.constant 0 : i32
    %dma_wait3A_279 = tpu.memref_slice %arg5[%div3A_1, %add3A_226, %dma_wait3A_278] : memref<4x2048x128xf32, #tpu.memory_space<hbm>> -> memref<1x32x128xf32, #tpu.memory_space<hbm>>
    %dma_wait3A_280 = tpu.memref_squeeze %dma_wait3A_279 : memref<1x32x128xf32, #tpu.memory_space<hbm>> -> memref<32x128xf32, #tpu.memory_space<hbm>>
    tpu.wait_dma2 semaphore(%arg31 : memref<!tpu.dma_semaphore, #tpu.memory_space<semaphore_mem>>) src(%arg14 : memref<32x128xf32, #tpu.memory_space<vmem>>) dst(%dma_wait3A_280 : memref<32x128xf32, #tpu.memory_space<hbm>>)
    return
  }
}

</mosaic_0001>

<sc_bundles>
// kernel: kernel.3.cloned.1.call-start
scs
__scs_entry_jumppad:
0x0: {  	(pc) =	sbr.rel $0x88, $3  }
0x1: {  	(tag) =	ssettag $0x0;
	lr =	simm.s32 $0x1  }
0x2: {  	[smem:$0x3F9E] =	sst lr;
	_ =	strace $0xD0000000  }
0x3: {  	_ = 	snop  }
0x4: {  	_ = 	snop  }
0x5: {  	_ = 	snop  }
0x6: {  	_ = 	snop  }
0x7: {  	_ = 	snop  }
__scs_overlays_trampoline_lowered:
0x8: {  	[smem:$0x3FAD] =	sst s0  }
0x9: {  	[smem:$0x3FAE] =	sst s1  }
0xa: {  	[smem:$0x3FAF] =	sst s2  }
0xb: {  	[smem:$0x3FB0] =	sst s3  }
0xc: {  	[smem:$0x3FB1] =	sst s4  }
0xd: {  	[smem:$0x3FB2] =	sst s5  }
0xe: {  	[smem:$0x3FB3] =	sst s6  }
0xf: {  	[smem:$0x3FB4] =	sst s7  }
0x10: {  	[smem:$0x3FB5] =	sst s8  }
0x11: {  	[smem:$0x3FB6] =	sst s9;
	s0 =	simm.s32 @!p0 $0x0  }
0x12: {  	s1 =	sld [smem:$0x3F9C];
	s0 =	simm.s32 @p0 $0x1  }
0x13: {  	[smem:$0x3FB7] =	sst s0;
	s0 =	simm.s32 @!p1 $0x0  }
0x14: {  	s2 =	sld [smem:$0x3F9B];
	s0 =	simm.s32 @p1 $0x1  }
0x15: {  	[smem:$0x3FB8] =	sst s0;
	s0 =	simm.s32 @!p2 $0x0  }
0x16: {  	s3 =	sld [smem:$0x3FDB];
	s0 =	simm.s32 @p2 $0x1  }
0x17: {  	s4 =	simm.s32 $0x1BF5;
	[smem:$0x3FBA] =	sst s0  }
0x18: {  	s0 =	sld [smem:$0x3F9D];
	_ =	swait.ge [sflag:s4], $0x0  }
0x19: {  	s7 =	sld [smem:$0x3F9E]  }
0x1a: {  	s8 =	sadd.s32 $0xFFFFE003, lr  }
0x1b: {  	s9 =	sadd.s32 $0xFFFFFEF7, lr;
	s5 =	simm.s32 $0xFFFFFFFF;
	p2 =	slt.u32 s8, $0xFFFFF086  }
0x1c: {  	p1 =	slt.u32 s9, $0xF7A;
	s5 =	simm.s32 @!p2 $0x0  }
0x1d: {  	s5 =	simm.s32 @p1 $0x1;
	p0 =	seq.s32 s7, s2  }
0x1e: {  	s7 =	smul.u32 @!p0 $0xF7A, s2;
	p2 =	seq.s32 @!p0 s5, $0x0  }
0x1f: {  	s9 =	smul.u32 $0xF7A, s1;
	s8 =	simm.s32 @!p0 $0x1BF5;
	p2 =	por !p2, p0  }
0x20: {  	[sflag:s8] =	ssyncset.s32 @!p0 $0xFFFFF086;
	s6 =	sadd.s32 @!p0 s3, s7;
	s7 =	simm.s32 @!p0 $0x108  }
0x21: {  	s3 =	sadd.s32 s3, s9;
	s6 =	sadd.s32 @!p0 $0x88, s6;
	s7 =	simm.s32 @p2 $0x1082  }
0x22: {  	[simem:s7], [sflag:s8] =	dma.local @!p0 [hbm:s6], $0xF7A  }
0x23: {  	s9 =	sor.u32 $0xD0000000, s2;
	s6 =	simm.s32 $0x108;
	_ =	swait.ge @!p0 [sflag:s8], $0x0  }
0x24: {  	s3 =	sadd.s32 $0x88, s3;
	s6 =	simm.s32 @!p1 $0x1082;
	[sflag:s4] =	ssyncset.s32 $0xFFFFF086  }
0x25: {  	[simem:s6], [sflag:s4] =	dma.local [hbm:s3], $0xF7A  }
0x26: {  	[smem:$0x3F9E] =	sst s1;
	(tag) =	ssettag s2;
	_ =	strace s9  }
0x27: {  	s1 =	sld [smem:$0x3FAE]  }
0x28: {  	s2 =	sld [smem:$0x3FAF]  }
0x29: {  	s4 =	sld [smem:$0x3FB1]  }
0x2a: {  	p0 =	seq.s32 s5, $0x0;
	s5 =	sld [smem:$0x3FB2]  }
0x2b: {  	s6 =	sld [smem:$0x3FB3]  }
0x2c: {  	s7 =	sld [smem:$0x3FB4]  }
0x2d: {  	s3 =	simm.s32 $0x108;
	s8 =	sld [smem:$0x3FB5]  }
0x2e: {  	s3 =	simm.s32 @!p0 $0x1082;
	s9 =	sld [smem:$0x3FB6]  }
0x2f: {  	lr =	sadd.s32 s0, s3;
	s0 =	sld [smem:$0x3FAD]  }
0x30: {  	s3 =	sld [smem:$0x3FB0]  }
0x31: {  	[smem:$0x3FB9] =	sst s10  }
0x32: {  	s10 =	sld [smem:$0x3FB7];
	_ =	sdelay $0x3  }
0x33: {  	p0 =	seq.s32 s10, $0x1;
	s10 =	sld [smem:$0x3FB9];
	_ =	sdelay $0x3  }
0x34: {  	[smem:$0x3FB9] =	sst s10  }
0x35: {  	s10 =	sld [smem:$0x3FB8];
	_ =	sdelay $0x3  }
0x36: {  	p1 =	seq.s32 s10, $0x1;
	s10 =	sld [smem:$0x3FB9];
	_ =	sdelay $0x3  }
0x37: {  	[smem:$0x3FB9] =	sst s10  }
0x38: {  	s10 =	sld [smem:$0x3FBA]  }
0x39: {  	_ = 	snop;
	(pc) =	sbr.ind lr, $3  }
0x3a: {  	_ = 	snop  }
0x3b: {  	_ = 	snop  }
0x3c: {  	p2 =	seq.s32 s10, $0x1;
	s10 =	sld [smem:$0x3FB9]  }
0x3d: {  	_ =	shalt  }
0x3e: {  	_ =	shalt  }
0x3f: {  	_ =	shalt  }
0x40: {  	_ =	shalt  }
0x41: {  	_ =	shalt  }
0x42: {  	_ =	shalt  }
0x43: {  	_ =	shalt  }
0x44: {  	_ =	shalt  }
0x45: {  	_ =	shalt  }
0x46: {  	_ =	shalt  }
0x47: {  	_ =	shalt  }
0x48: {  	_ =	shalt  }
0x49: {  	_ =	shalt  }
0x4a: {  	_ =	shalt  }
0x4b: {  	_ =	shalt  }
0x4c: {  	_ =	shalt  }
0x4d: {  	_ =	shalt  }
0x4e: {  	_ =	shalt  }
0x4f: {  	_ =	shalt  }
0x50: {  	_ =	shalt  }
0x51: {  	_ =	shalt  }
0x52: {  	_ =	shalt  }
0x53: {  	_ =	shalt  }
0x54: {  	_ =	shalt  }
0x55: {  	_ =	shalt  }
0x56: {  	_ =	shalt  }
0x57: {  	_ =	shalt  }
0x58: {  	_ =	shalt  }
0x59: {  	_ =	shalt  }
0x5a: {  	_ =	shalt  }
0x5b: {  	_ =	shalt  }
0x5c: {  	_ =	shalt  }
0x5d: {  	_ =	shalt  }
0x5e: {  	_ =	shalt  }
0x5f: {  	_ =	shalt  }
0x60: {  	_ =	shalt  }
0x61: {  	_ =	shalt  }
0x62: {  	_ =	shalt  }
0x63: {  	_ =	shalt  }
0x64: {  	_ =	shalt  }
0x65: {  	_ =	shalt  }
0x66: {  	_ =	shalt  }
0x67: {  	_ =	shalt  }
0x68: {  	_ =	shalt  }
0x69: {  	_ =	shalt  }
0x6a: {  	_ =	shalt  }
0x6b: {  	_ =	shalt  }
0x6c: {  	_ =	shalt  }
0x6d: {  	_ =	shalt  }
0x6e: {  	_ =	shalt  }
0x6f: {  	_ =	shalt  }
0x70: {  	_ =	shalt  }
0x71: {  	_ =	shalt  }
0x72: {  	_ =	shalt  }
0x73: {  	_ =	shalt  }
0x74: {  	_ =	shalt  }
0x75: {  	_ =	shalt  }
0x76: {  	_ =	shalt  }
0x77: {  	_ =	shalt  }
0x78: {  	_ =	shalt  }
0x79: {  	_ =	shalt  }
0x7a: {  	_ =	shalt  }
0x7b: {  	_ =	shalt  }
0x7c: {  	_ =	shalt  }
0x7d: {  	_ =	shalt  }
0x7e: {  	_ =	shalt  }
0x7f: {  	_ =	shalt  }
0x80: {  	_ =	shalt  }
0x81: {  	_ =	shalt  }
0x82: {  	_ =	shalt  }
0x83: {  	_ =	shalt  }
0x84: {  	_ =	shalt  }
0x85: {  	_ =	shalt  }
0x86: {  	_ =	shalt  }
0x87: {  	_ =	shalt  }
.Lfunc_end0:
.L_simem_size_0:
called_computation_lowered:
.L_overlay_start_0:
0x88: {  	s2 =	sld [smem:$0x3FD9]  }
0x89: {  	s3 =	sld [smem:$0x3FFE];
	_ =	sdelay $0x1  }
0x8a: {  	s1 =	srdreg.scid  }
0x8b: {  	s0 =	sand.u32 $0x1, s1  }
0x8c: {  	s17 =	sshll.u32 s0, $0xA;
	s2 =	sadd.s32 s3, s2  }
0x8d: {  	s2 =	sadd.s32 s2, s17  }
0x8e: {  	[smem:$0x3FC5] =	sst s2  }
0x8f: {  	_ = 	snop  }
0x90: {  	s2 =	sld [smem:$0x3FC8]  }
0x91: {  	s18 =	sld [smem:$0x3FC7]  }
0x92: {  	s4 =	sld [smem:$0x3FD0];
	(tm) =	ssettm $0x1  }
0x93: {  	s5 =	sld [smem:$0x3FFB];
	_ =	sdelay $0x3  }
0x94: {  	_ =	strace s5  }
0x95: {  	s5 =	sld [smem:$0x3FFC];
	_ =	sdelay $0x3  }
0x96: {  	_ =	strace s5  }
0x97: {  	s5 =	sld [smem:$0x3FFD];
	_ =	sdelay $0x3  }
0x98: {  	_ =	strace s5  }
0x99: {  	_ =	strace $0x8FFFFFFF  }
0x9a: {  	s19 =	sld [smem:$0x3FDB];
	_ =	sdelay $0x1  }
0x9b: {  	s6 =	simm.s32 $_scs_section_size  }
0x9c: {  	s7 =	simm.s32 $_size__tile_overlayer_lowered;
	s8 =	simm.s32 $_tile_overlayer_lowered  }
0x9d: {  	s22 =	simm.s32 $0x1BFF;
	s21 =	sshll.u32 s8, $0x1;
	s5 =	sadd.s32 s6, s19  }
0x9e: {  	s9 =	simm.s32 $0x0;
	s20 =	sshll.u32 s7, $0x1;
	s7 =	sadd.s32 s21, s5  }
0x9f: {  	[timem:s9], [sflag:s22] =	dma.local [hbm:s7], s20  }
0xa0: {  	_ =	swait.ge [sflag:s22], s20  }
0xa1: {  	s6 =	ssub.s32 $0x0, s20;
	[sflag:s22] =	ssyncset.done $0x0  }
0xa2: {  	[sflag:s22] =	ssyncadd.s32 s6;
	_ =	sdelay $0x1  }
0xa3: {  	s23 =	simm.s32 $0x1B8B  }
0xa4: {  	_ =	swait.ge [sflag:s23], $0x1  }
0xa5: {  	[sflag:s23] =	ssyncset.done $0x0  }
0xa6: {  	s25 =	simm.s32 $0x1B8E;
	s24 =	sld [smem:$0x3FFE];
	[sflag:s23] =	ssyncadd.s32 $0xFFFFFFFF  }
0xa7: {  	s26 =	simm.s32 $execute0_lowered;
	[smem:$0x3FD2] =	sst s25  }
0xa8: {  	s7 =	sshll.u32 s26, $0x1;
	_ =	strace $0x80000046;
	[dreg:$0x1] =	wrdreg $0xFFFFFFFF  }
0xa9: {  	s28 =	simm.s32 $_size_execute0_lowered;
	s5 =	sadd.s32 s5, s7;
	[dreg:$0x0] =	wrdreg $0x0  }
0xaa: {  	s7 =	sshll.u32 s28, $0x1;
	[dreg:$0x2] =	wrdreg s5  }
0xab: {  	[dreg:$0x3] =	wrdreg s7  }
0xac: {  	[dreg:$0x4] =	wrdreg $0xC0  }
0xad: {  	_ =	task [dreg:s9], $0x5FFFF  }
0xae: {  	[dreg:$0x1] =	wrdreg $0xFFFFFFFF  }
0xaf: {  	[dreg:$0x0] =	wrdreg $0x60  }
0xb0: {  	[dreg:$0x2] =	wrdreg s24  }
0xb1: {  	[dreg:$0x3] =	wrdreg s2  }
0xb2: {  	[dreg:$0x4] =	wrdreg s18  }
0xb3: {  	[dreg:$0x5] =	wrdreg s4  }
0xb4: {  	[dreg:$0x6] =	wrdreg $0x9  }
0xb5: {  	_ =	task.clear_ibuf [dreg:s9], $0x7FFFF;
	_ =	strace $0x90000046  }
0xb6: {  	s29 =	simm.s32 $0x9;
	_ =	strace $0x80000048  }
0xb7: {  	_ =	swait.ge [sflag:s29], $0x1  }
0xb8: {  	[sflag:s29] =	ssyncadd.s32 $0xFFFFFFFF  }
0xb9: {  	_ =	strace $0x90000048  }
0xba: {  	_ =	sfence  }
0xbb: {  	s30 =	sld [smem:$0x0];
	_ =	sdelay $0x2  }
0xbc: {  	s31 =	sshll.u32 s1, $0xD;
	s1 =	sshrl.u32 s1, $0x2  }
0xbd: {  	s3 =	sand.u32 $0x4000, s31;
	s1 =	sadd.s32 s1, s30  }
0xbe: {  	s0 =	sor.u32 s3, s0;
	s1 =	sshll.u32 s1, $0x11  }
0xbf: {  	s0 =	sor.u32 s1, s0  }
0xc0: {  	s0 =	sadd.s32 $0x8F2B, s0  }
0xc1: {  	[sflag:s0] =	ssyncadd.remote.s32 $0x1  }
0xc2: {  	_ =	sfence.sel $0xFFFF  }
0xc3: {  	[dreg:$0x0] =	wrdreg $0xFFFFFFFF;
	(pc) =	sbr.abs _section_cstart, $3  }
0xc4: {  	[dreg:$0x1] =	wrdreg $0xFFFFFFFF  }
0xc5: {  	_ =	task.clear_ibuf [dreg:s9], $0x2FFFF;
	_ =	strace $0x9FFFFFFF  }
0xc6: {  	(tm) =	ssettm $0x7FFFFFFF  }
0xc7: {  	_ =	shalt  }
tec
execute0_lowered:
.L_overlay_start_1:
0x0: {  	(tag) =	ssettag $0x1  }
0x1: {  	s1 =	rddreg [dreg:$0x0]  }
0x2: {  	s3 =	rddreg [dreg:$0x1]  }
0x3: {  	s6 =	rddreg [dreg:$0x2]  }
0x4: {  	s0 =	rddreg [dreg:$0x3];
	s4 =	srdreg.scid  }
0x5: {  	s14 =	stileid.u32;
	s2 =	simm.s32 $0x0;
	s31 =	simm.s32 $0x12  }
0x6: {  	s30 =	simm.s32 $0x1;
	s29 =	simm.s32 $0x2;
	s28 =	simm.s32 $0x3  }
0x7: {  	p0 =	por $0x0, $0x0;
	s4 =	sand.u32 $0x1, s4;
	s5 =	sshll.u32 s14, $0x1  }
0x8: {  	[smem:$0x7FF] =	sst s2;
	s14 =	sshll.u32 s14, $0x10;
	s5 =	sor.u32 s4, s5  }
0x9: {  	_ =	strace $0x80000047;
	s4 =	ssub.s32 $0x2, s4;
	s14 =	sand.u32 $0xC0000, s14  }
0xa: {  	s7 =	sshll.u32 s5, $0x5;
	s17 =	sand.u32 $0x7, s5;
	s5 =	sshrl.u32 s4, $0x1  }
0xb: {  	s1 =	sadd.s32 s7, s1;
	s8 =	sshll.u32 s17, $0xF;
	s18 =	sshll.u32 s17, $0xC  }
0xc: {  	s4 =	ssub.s32 s4, s5;
	s5 =	simm.s32 $0x6100;
	s1 =	sadd.s32 $0x400, s1  }
0xd: {  	s19 =	sor.u32 $0x1000, s8;
	s10 =	sor.u32 $0x2000, s8;
	s11 =	sor.u32 $0x4000, s8  }
0xe: {  	s13 =	sor.u32 $0x5000, s8;
	[dreg:$0x5] =	wrdreg s1;
	s1 =	sadd.s32 s6, s18  }
0xf: {  	s9 =	sshrl.u32 s19, $0x3;
	s21 =	sshrl.u32 s10, $0x3;
	s12 =	sshrl.u32 s11, $0x3  }
0x10: {  	s25 =	sshrl.u32 s13, $0x3;
	s7 =	sor.u32 s14, s19;
	[dreg:$0x6] =	wrdreg s1  }
0x11: {  	s20 =	sadd.s32 s6, s9;
	s22 =	sadd.s32 s6, s21;
	s9 =	sor.u32 $0x3000, s8  }
0x12: {  	s24 =	sadd.s32 s6, s12;
	s26 =	sadd.s32 s6, s25;
	[dreg:$0x7] =	wrdreg s20  }
0x13: {  	s12 =	sor.u32 $0x6000, s8;
	s19 =	sshrl.u32 s7, $0x3;
	[dreg:$0x8] =	wrdreg s22  }
0x14: {  	s21 =	sor.u32 s14, s10;
	s23 =	sshrl.u32 s9, $0x3;
	[dreg:$0xa] =	wrdreg s24  }
0x15: {  	[dreg:$0xb] =	wrdreg s26;
	s15 =	sshrl.u32 s12, $0x3;
	s20 =	sadd.s32 s0, s19  }
0x16: {  	s22 =	sshrl.u32 s21, $0x3;
	s24 =	sor.u32 s14, s11;
	s10 =	sor.u32 s14, s12  }
0x17: {  	s19 =	simm.s32 $0xA0;
	s21 =	simm.s32 $0xE0;
	s1 =	sadd.s32 s6, s23  }
0x18: {  	[dreg:$0xf] =	wrdreg s20;
	s23 =	sor.u32 s14, s9;
	s26 =	sshrl.u32 s24, $0x3  }
0x19: {  	s24 =	simm.s32 $0x6;
	[dreg:$0x19] =	wrdreg s19;
	s20 =	simm.s32 $0xC0  }
0x1a: {  	[dreg:$0x1b] =	wrdreg s21;
	s21 =	simm.s32 $0x9;
	s19 =	simm.s32 $0xB  }
0x1b: {  	[dreg:$0x9] =	wrdreg s1;
	s1 =	sadd.s32 s6, s15;
	s15 =	sor.u32 $0x7000, s8  }
0x1c: {  	s8 =	sor.u32 s14, s8;
	s7 =	sadd.s32 s0, s26;
	[dreg:$0x1a] =	wrdreg s20  }
0x1d: {  	s26 =	simm.s32 $0x4;
	s20 =	simm.s32 $0xA;
	[dreg:$0xc] =	wrdreg s1  }
0x1e: {  	s16 =	sshrl.u32 s15, $0x3;
	s17 =	sshrl.u32 s8, $0x3;
	s8 =	sor.u32 s14, s13  }
0x1f: {  	[dreg:$0x12] =	wrdreg s7;
	s11 =	sor.u32 s14, s15;
	s14 =	smax.u32 s4, $0x1  }
0x20: {  	s4 =	simm.s32 $0x7100;
	s15 =	simm.s32 $0x40;
	s7 =	simm.s32 $0x11  }
0x21: {  	s1 =	sadd.s32 s6, s16;
	s18 =	sadd.s32 s0, s17;
	s6 =	sshrl.u32 s23, $0x3  }
0x22: {  	s9 =	sshrl.u32 s8, $0x3;
	s13 =	sshrl.u32 s11, $0x3;
	s11 =	simm.s32 $0x1100  }
0x23: {  	s8 =	simm.s32 $0x4100;
	s16 =	simm.s32 $0x20;
	[dreg:$0x16] =	wrdreg s15  }
0x24: {  	s17 =	simm.s32 $0x60;
	s23 =	simm.s32 $0x7;
	[dreg:$0xd] =	wrdreg s1  }
0x25: {  	p1 =	sne.s32 s14, $0x1;
	s15 =	simm.s32 $0xE;
	[dreg:$0xe] =	wrdreg s18  }
0x26: {  	s1 =	sadd.s32 s0, s22;
	s25 =	sadd.s32 s0, s6;
	s6 =	sshrl.u32 s10, $0x3  }
0x27: {  	s10 =	simm.s32 $0x2100;
	[dreg:$0x17] =	wrdreg s17;
	s18 =	simm.s32 $0x80  }
0x28: {  	s22 =	simm.s32 $0x8;
	s17 =	simm.s32 $0xD;
	[dreg:$0x10] =	wrdreg s1  }
0x29: {  	[dreg:$0x11] =	wrdreg s25;
	s1 =	sadd.s32 s0, s9;
	s12 =	sadd.s32 s0, s6  }
.Ltmp0:
0x2a: {  	s0 =	sadd.s32 s0, s13;
	[dreg:$0x18] =	wrdreg s18;
	(pc) =	sbr.rel @!p1 .LBB2_3-.Ltmp0, $4  }
0x2b: {  	s9 =	simm.s32 $0x3100;
	s6 =	simm.s32 $0x5100;
	[dreg:$0x13] =	wrdreg s1  }
0x2c: {  	s25 =	simm.s32 $0x5;
	s18 =	simm.s32 $0xC;
	[dreg:$0x14] =	wrdreg s12  }
0x2d: {  	s13 =	simm.s32 $0x10;
	[dreg:$0x15] =	wrdreg s0;
	s12 =	simm.s32 $0x100  }
0x2e: {  	s0 =	sadd.s32 $0xFFFFFFFF, s14;
	s14 =	simm.s32 $0xF;
	s1 =	rddreg [dreg:$0x5]  }
0x2f: {  	[dreg:$0x1c] =	wrdreg s0  }
0x30: {  	[tilespmem:s2], [sflag:$0x12] =	stream.linear.gather [hbm4b:s1+s2], $0x100, $0x38;
	[tilespmem:$0x8100] =	vst v63  }
0x31: {  	s0 =	rddreg [dreg:$0x6]  }
0x32: {  	[tilespmem:s12], [sflag:$0x1] =	stream.linear.gather [hbm4b:s0+s2], $0x1000, $0x38;
	[tilespmem:$0x8100] =	vst v63  }
0x33: {  	s1 =	rddreg [dreg:$0x7]  }
0x34: {  	[tilespmem:s11], [sflag:$0x2] =	stream.linear.gather [hbm4b:s1+s2], $0x1000, $0x38;
	[tilespmem:$0x8100] =	vst v63  }
0x35: {  	s0 =	rddreg [dreg:$0x8]  }
0x36: {  	[tilespmem:s10], [sflag:$0x3] =	stream.linear.gather [hbm4b:s0+s2], $0x1000, $0x38;
	[tilespmem:$0x8100] =	vst v63  }
0x37: {  	s1 =	rddreg [dreg:$0x9]  }
0x38: {  	[tilespmem:s9], [sflag:$0x4] =	stream.linear.gather [hbm4b:s1+s2], $0x1000, $0x38;
	[tilespmem:$0x8100] =	vst v63  }
0x39: {  	s0 =	rddreg [dreg:$0xa]  }
0x3a: {  	[tilespmem:s8], [sflag:$0x5] =	stream.linear.gather [hbm4b:s0+s2], $0x1000, $0x38;
	[tilespmem:$0x8100] =	vst v63  }
0x3b: {  	s1 =	rddreg [dreg:$0xb]  }
0x3c: {  	[tilespmem:s6], [sflag:$0x6] =	stream.linear.gather [hbm4b:s1+s2], $0x1000, $0x38;
	[tilespmem:$0x8100] =	vst v63  }
0x3d: {  	s0 =	rddreg [dreg:$0xc]  }
0x3e: {  	[tilespmem:s5], [sflag:$0x7] =	stream.linear.gather [hbm4b:s0+s2], $0x1000, $0x38;
	[tilespmem:$0x8100] =	vst v63  }
0x3f: {  	s1 =	rddreg [dreg:$0xd]  }
0x40: {  	[tilespmem:s4], [sflag:$0x8] =	stream.linear.gather [hbm4b:s1+s2], $0x1000, $0x38;
	[tilespmem:$0x8100] =	vst v63  }
0x41: {  	_ =	swait.ge [sflag:s31], $0x100  }
0x42: {  	[sflag:s31] =	ssyncset.done $0x0  }
0x43: {  	[sflag:s31] =	ssyncadd.s32 $0xFFFFFF00  }
0x44: {  	_ =	swait.ge [sflag:s30], $0x1000  }
0x45: {  	[sflag:s30] =	ssyncset.done $0x0  }
0x46: {  	[sflag:s30] =	ssyncadd.s32 $0xFFFFF000  }
0x47: {  	[tilespmem:s12], [sflag:$0x9] =	stream.indirect.gather.add.f32 [hbm:s3], $0x80, s2, s16, $0xb8;
	[tilespmem:$0x8100] =	vst v63  }
0x48: {  	_ =	swait.ge [sflag:s29], $0x1000  }
0x49: {  	[sflag:s29] =	ssyncset.done $0x0  }
0x4a: {  	[sflag:s29] =	ssyncadd.s32 $0xFFFFF000  }
0x4b: {  	[tilespmem:s11], [sflag:$0xA] =	stream.indirect.gather.add.f32 [hbm:s3], $0x80, s16, s16, $0xb8;
	[tilespmem:$0x8100] =	vst v63  }
0x4c: {  	_ =	swait.ge [sflag:s28], $0x1000  }
0x4d: {  	[sflag:s28] =	ssyncset.done $0x0  }
0x4e: {  	s1 =	rddreg [dreg:$0x16];
	[sflag:s28] =	ssyncadd.s32 $0xFFFFF000  }
0x4f: {  	[tilespmem:s10], [sflag:$0xB] =	stream.indirect.gather.add.f32 [hbm:s3], $0x80, s1, s16, $0xb8;
	[tilespmem:$0x8100] =	vst v63  }
0x50: {  	_ =	swait.ge [sflag:s26], $0x1000  }
0x51: {  	[sflag:s26] =	ssyncset.done $0x0  }
0x52: {  	s1 =	rddreg [dreg:$0x17];
	[sflag:s26] =	ssyncadd.s32 $0xFFFFF000  }
0x53: {  	[tilespmem:s9], [sflag:$0xC] =	stream.indirect.gather.add.f32 [hbm:s3], $0x80, s1, s16, $0xb8;
	[tilespmem:$0x8100] =	vst v63  }
0x54: {  	_ =	swait.ge [sflag:s25], $0x1000  }
0x55: {  	[sflag:s25] =	ssyncset.done $0x0  }
0x56: {  	s1 =	rddreg [dreg:$0x18];
	[sflag:s25] =	ssyncadd.s32 $0xFFFFF000  }
0x57: {  	[tilespmem:s8], [sflag:$0xD] =	stream.indirect.gather.add.f32 [hbm:s3], $0x80, s1, s16, $0xb8;
	[tilespmem:$0x8100] =	vst v63  }
0x58: {  	_ =	swait.ge [sflag:s24], $0x1000  }
0x59: {  	[sflag:s24] =	ssyncset.done $0x0  }
0x5a: {  	s1 =	rddreg [dreg:$0x19];
	[sflag:s24] =	ssyncadd.s32 $0xFFFFF000  }
0x5b: {  	[tilespmem:s6], [sflag:$0xE] =	stream.indirect.gather.add.f32 [hbm:s3], $0x80, s1, s16, $0xb8;
	[tilespmem:$0x8100] =	vst v63  }
0x5c: {  	_ =	swait.ge [sflag:s23], $0x1000  }
0x5d: {  	[sflag:s23] =	ssyncset.done $0x0  }
0x5e: {  	s1 =	rddreg [dreg:$0x1a];
	[sflag:s23] =	ssyncadd.s32 $0xFFFFF000  }
0x5f: {  	[tilespmem:s5], [sflag:$0xF] =	stream.indirect.gather.add.f32 [hbm:s3], $0x80, s1, s16, $0xb8;
	[tilespmem:$0x8100] =	vst v63  }
0x60: {  	_ =	swait.ge [sflag:s22], $0x1000  }
0x61: {  	[sflag:s22] =	ssyncset.done $0x0  }
0x62: {  	s1 =	rddreg [dreg:$0x1b];
	[sflag:s22] =	ssyncadd.s32 $0xFFFFF000  }
0x63: {  	[tilespmem:s4], [sflag:$0x10] =	stream.indirect.gather.add.f32 [hbm:s3], $0x80, s1, s16, $0xb8;
	[tilespmem:$0x8100] =	vst v63  }
0x64: {  	_ =	swait.ge [sflag:s21], $0x1000  }
0x65: {  	[sflag:s21] =	ssyncset.done $0x0  }
0x66: {  	s1 =	rddreg [dreg:$0xe];
	[sflag:s21] =	ssyncadd.s32 $0xFFFFF000  }
0x67: {  	[hbm4b:s1+s2] =	stream.linear.scatter [tilespmem:s12], [sflag:$0x11], $0x1000, $0x38;
	[tilespmem:$0x8100] =	vst v63  }
0x68: {  	_ =	swait.ge [sflag:s20], $0x1000  }
0x69: {  	[sflag:s20] =	ssyncset.done $0x0  }
0x6a: {  	s1 =	rddreg [dreg:$0xf];
	[sflag:s20] =	ssyncadd.s32 $0xFFFFF000  }
0x6b: {  	[hbm4b:s1+s2] =	stream.linear.scatter [tilespmem:s11], [sflag:$0x11], $0x1000, $0x38;
	[tilespmem:$0x8100] =	vst v63  }
0x6c: {  	_ =	swait.ge [sflag:s19], $0x1000  }
0x6d: {  	[sflag:s19] =	ssyncset.done $0x0  }
0x6e: {  	s1 =	rddreg [dreg:$0x10];
	[sflag:s19] =	ssyncadd.s32 $0xFFFFF000  }
0x6f: {  	[hbm4b:s1+s2] =	stream.linear.scatter [tilespmem:s10], [sflag:$0x11], $0x1000, $0x38;
	[tilespmem:$0x8100] =	vst v63  }
0x70: {  	_ =	swait.ge [sflag:s18], $0x1000  }
0x71: {  	[sflag:s18] =	ssyncset.done $0x0  }
0x72: {  	s1 =	rddreg [dreg:$0x11];
	[sflag:s18] =	ssyncadd.s32 $0xFFFFF000  }
0x73: {  	[hbm4b:s1+s2] =	stream.linear.scatter [tilespmem:s9], [sflag:$0x11], $0x1000, $0x38;
	[tilespmem:$0x8100] =	vst v63  }
0x74: {  	_ =	swait.ge [sflag:s17], $0x1000  }
0x75: {  	[sflag:s17] =	ssyncset.done $0x0  }
0x76: {  	s1 =	rddreg [dreg:$0x12];
	[sflag:s17] =	ssyncadd.s32 $0xFFFFF000  }
0x77: {  	[hbm4b:s1+s2] =	stream.linear.scatter [tilespmem:s8], [sflag:$0x11], $0x1000, $0x38;
	[tilespmem:$0x8100] =	vst v63  }
0x78: {  	_ =	swait.ge [sflag:s15], $0x1000  }
0x79: {  	[sflag:s15] =	ssyncset.done $0x0  }
0x7a: {  	s1 =	rddreg [dreg:$0x13];
	[sflag:s15] =	ssyncadd.s32 $0xFFFFF000  }
0x7b: {  	[hbm4b:s1+s2] =	stream.linear.scatter [tilespmem:s6], [sflag:$0x11], $0x1000, $0x38;
	[tilespmem:$0x8100] =	vst v63  }
0x7c: {  	_ =	swait.ge [sflag:s14], $0x1000  }
0x7d: {  	[sflag:s14] =	ssyncset.done $0x0  }
0x7e: {  	s1 =	rddreg [dreg:$0x14];
	[sflag:s14] =	ssyncadd.s32 $0xFFFFF000  }
0x7f: {  	[hbm4b:s1+s2] =	stream.linear.scatter [tilespmem:s5], [sflag:$0x11], $0x1000, $0x38;
	[tilespmem:$0x8100] =	vst v63  }
0x80: {  	_ =	swait.ge [sflag:s13], $0x1000  }
0x81: {  	[sflag:s13] =	ssyncset.done $0x0  }
0x82: {  	s1 =	rddreg [dreg:$0x15];
	[sflag:s13] =	ssyncadd.s32 $0xFFFFF000  }
0x83: {  	[hbm4b:s1+s2] =	stream.linear.scatter [tilespmem:s4], [sflag:$0x11], $0x1000, $0x38;
	[tilespmem:$0x8100] =	vst v63  }
0x84: {  	_ =	swait.ge [sflag:s7], $0x1000  }
0x85: {  	[sflag:s7] =	ssyncset.done $0x0  }
0x86: {  	[sflag:s7] =	ssyncadd.s32 $0xFFFFF000  }
0x87: {  	_ =	swait.ge [sflag:s7], $0x1000  }
0x88: {  	[sflag:s7] =	ssyncset.done $0x0  }
0x89: {  	[sflag:s7] =	ssyncadd.s32 $0xFFFFF000  }
0x8a: {  	_ =	swait.ge [sflag:s7], $0x1000  }
0x8b: {  	[sflag:s7] =	ssyncset.done $0x0  }
0x8c: {  	[sflag:s7] =	ssyncadd.s32 $0xFFFFF000  }
0x8d: {  	_ =	swait.ge [sflag:s7], $0x1000  }
0x8e: {  	[sflag:s7] =	ssyncset.done $0x0  }
0x8f: {  	[sflag:s7] =	ssyncadd.s32 $0xFFFFF000  }
0x90: {  	_ =	swait.ge [sflag:s7], $0x1000  }
0x91: {  	[sflag:s7] =	ssyncset.done $0x0  }
0x92: {  	[sflag:s7] =	ssyncadd.s32 $0xFFFFF000  }
0x93: {  	_ =	swait.ge [sflag:s7], $0x1000  }
0x94: {  	[sflag:s7] =	ssyncset.done $0x0  }
0x95: {  	[sflag:s7] =	ssyncadd.s32 $0xFFFFF000  }
0x96: {  	_ =	swait.ge [sflag:s7], $0x1000  }
0x97: {  	s1 =	rddreg [dreg:$0x1c]  }
0x98: {  	p1 =	sne.s32 s1, $0x1  }
.Ltmp1:
0x99: {  	_ = 	snop;
	(pc) =	sbr.rel @!p1 .LBB2_3-.Ltmp1, $4  }
0x9a: {  	[sflag:s7] =	ssyncset.done $0x0  }
0x9b: {  	[sflag:s7] =	ssyncadd.s32 $0xFFFFF000  }
0x9c: {  	p0 =	por $0x1, $0x1;
	_ =	swait.ge [sflag:s7], $0x1000  }
0x9d: {  	s0 =	sadd.s32 $0xFFFFFFFF, s1;
	s1 =	rddreg [dreg:$0x5];
	[sflag:s7] =	ssyncset.done $0x0  }
.LBB2_2:
0x9e: {  	[sflag:s7] =	ssyncadd.s32 $0xFFFFF000  }
0x9f: {  	[tilespmem:s2], [sflag:$0x12] =	stream.linear.gather [hbm4b:s1+s2], $0x100, $0x38;
	[tilespmem:$0x8100] =	vst v63  }
0xa0: {  	s4 =	rddreg [dreg:$0x6]  }
0xa1: {  	[tilespmem:s12], [sflag:$0x1] =	stream.linear.gather [hbm4b:s4+s2], $0x1000, $0x38;
	[tilespmem:$0x8100] =	vst v63  }
0xa2: {  	s1 =	rddreg [dreg:$0x7]  }
0xa3: {  	[tilespmem:s11], [sflag:$0x2] =	stream.linear.gather [hbm4b:s1+s2], $0x1000, $0x38;
	[tilespmem:$0x8100] =	vst v63  }
0xa4: {  	s4 =	rddreg [dreg:$0x8]  }
0xa5: {  	[tilespmem:s10], [sflag:$0x3] =	stream.linear.gather [hbm4b:s4+s2], $0x1000, $0x38;
	[tilespmem:$0x8100] =	vst v63  }
0xa6: {  	s1 =	rddreg [dreg:$0x9]  }
0xa7: {  	[tilespmem:s9], [sflag:$0x4] =	stream.linear.gather [hbm4b:s1+s2], $0x1000, $0x38;
	[tilespmem:$0x8100] =	vst v63  }
0xa8: {  	s4 =	rddreg [dreg:$0xa]  }
0xa9: {  	[tilespmem:s8], [sflag:$0x5] =	stream.linear.gather [hbm4b:s4+s2], $0x1000, $0x38;
	[tilespmem:$0x8100] =	vst v63  }
0xaa: {  	s1 =	rddreg [dreg:$0xb]  }
0xab: {  	[tilespmem:s6], [sflag:$0x6] =	stream.linear.gather [hbm4b:s1+s2], $0x1000, $0x38;
	[tilespmem:$0x8100] =	vst v63  }
0xac: {  	s4 =	rddreg [dreg:$0xc]  }
0xad: {  	[tilespmem:s5], [sflag:$0x7] =	stream.linear.gather [hbm4b:s4+s2], $0x1000, $0x38;
	[tilespmem:$0x8100] =	vst v63  }
0xae: {  	s1 =	rddreg [dreg:$0xd];
	s4 =	simm.s32 $0x7100  }
0xaf: {  	[tilespmem:s4], [sflag:$0x8] =	stream.linear.gather [hbm4b:s1+s2], $0x1000, $0x38;
	[tilespmem:$0x8100] =	vst v63  }
0xb0: {  	_ =	swait.ge [sflag:s31], $0x100  }
0xb1: {  	[sflag:s31] =	ssyncset.done $0x0  }
0xb2: {  	[sflag:s31] =	ssyncadd.s32 $0xFFFFFF00  }
0xb3: {  	_ =	swait.ge [sflag:s30], $0x1000  }
0xb4: {  	[sflag:s30] =	ssyncset.done $0x0  }
0xb5: {  	[sflag:s30] =	ssyncadd.s32 $0xFFFFF000  }
0xb6: {  	[tilespmem:s12], [sflag:$0x9] =	stream.indirect.gather.add.f32 [hbm:s3], $0x80, s2, s16, $0xb8;
	[tilespmem:$0x8100] =	vst v63  }
0xb7: {  	_ =	swait.ge [sflag:s29], $0x1000  }
0xb8: {  	[sflag:s29] =	ssyncset.done $0x0  }
0xb9: {  	[sflag:s29] =	ssyncadd.s32 $0xFFFFF000  }
0xba: {  	[tilespmem:s11], [sflag:$0xA] =	stream.indirect.gather.add.f32 [hbm:s3], $0x80, s16, s16, $0xb8;
	[tilespmem:$0x8100] =	vst v63  }
0xbb: {  	_ =	swait.ge [sflag:s28], $0x1000  }
0xbc: {  	[sflag:s28] =	ssyncset.done $0x0  }
0xbd: {  	s1 =	rddreg [dreg:$0x16];
	[sflag:s28] =	ssyncadd.s32 $0xFFFFF000  }
0xbe: {  	[tilespmem:s10], [sflag:$0xB] =	stream.indirect.gather.add.f32 [hbm:s3], $0x80, s1, s16, $0xb8;
	[tilespmem:$0x8100] =	vst v63  }
0xbf: {  	_ =	swait.ge [sflag:s26], $0x1000  }
0xc0: {  	[sflag:s26] =	ssyncset.done $0x0  }
0xc1: {  	s1 =	rddreg [dreg:$0x17];
	[sflag:s26] =	ssyncadd.s32 $0xFFFFF000  }
0xc2: {  	[tilespmem:s9], [sflag:$0xC] =	stream.indirect.gather.add.f32 [hbm:s3], $0x80, s1, s16, $0xb8;
	[tilespmem:$0x8100] =	vst v63  }
0xc3: {  	_ =	swait.ge [sflag:s25], $0x1000  }
0xc4: {  	[sflag:s25] =	ssyncset.done $0x0  }
0xc5: {  	s1 =	rddreg [dreg:$0x18];
	[sflag:s25] =	ssyncadd.s32 $0xFFFFF000  }
0xc6: {  	[tilespmem:s8], [sflag:$0xD] =	stream.indirect.gather.add.f32 [hbm:s3], $0x80, s1, s16, $0xb8;
	[tilespmem:$0x8100] =	vst v63  }
0xc7: {  	_ =	swait.ge [sflag:s24], $0x1000  }
0xc8: {  	[sflag:s24] =	ssyncset.done $0x0  }
0xc9: {  	s1 =	rddreg [dreg:$0x19];
	[sflag:s24] =	ssyncadd.s32 $0xFFFFF000  }
0xca: {  	[tilespmem:s6], [sflag:$0xE] =	stream.indirect.gather.add.f32 [hbm:s3], $0x80, s1, s16, $0xb8;
	[tilespmem:$0x8100] =	vst v63  }
0xcb: {  	_ =	swait.ge [sflag:s23], $0x1000  }
0xcc: {  	[sflag:s23] =	ssyncset.done $0x0  }
0xcd: {  	s1 =	rddreg [dreg:$0x1a];
	[sflag:s23] =	ssyncadd.s32 $0xFFFFF000  }
0xce: {  	[tilespmem:s5], [sflag:$0xF] =	stream.indirect.gather.add.f32 [hbm:s3], $0x80, s1, s16, $0xb8;
	[tilespmem:$0x8100] =	vst v63  }
0xcf: {  	_ =	swait.ge [sflag:s22], $0x1000  }
0xd0: {  	[sflag:s22] =	ssyncset.done $0x0  }
0xd1: {  	s1 =	rddreg [dreg:$0x1b];
	[sflag:s22] =	ssyncadd.s32 $0xFFFFF000  }
0xd2: {  	[tilespmem:s4], [sflag:$0x10] =	stream.indirect.gather.add.f32 [hbm:s3], $0x80, s1, s16, $0xb8;
	[tilespmem:$0x8100] =	vst v63  }
0xd3: {  	_ =	swait.ge [sflag:s21], $0x1000  }
0xd4: {  	[sflag:s21] =	ssyncset.done $0x0  }
0xd5: {  	s1 =	rddreg [dreg:$0xe];
	[sflag:s21] =	ssyncadd.s32 $0xFFFFF000  }
0xd6: {  	[hbm4b:s1+s2] =	stream.linear.scatter [tilespmem:s12], [sflag:$0x11], $0x1000, $0x38;
	[tilespmem:$0x8100] =	vst v63  }
0xd7: {  	_ =	swait.ge [sflag:s20], $0x1000  }
0xd8: {  	[sflag:s20] =	ssyncset.done $0x0  }
0xd9: {  	s1 =	rddreg [dreg:$0xf];
	[sflag:s20] =	ssyncadd.s32 $0xFFFFF000  }
0xda: {  	[hbm4b:s1+s2] =	stream.linear.scatter [tilespmem:s11], [sflag:$0x11], $0x1000, $0x38;
	[tilespmem:$0x8100] =	vst v63  }
0xdb: {  	_ =	swait.ge [sflag:s19], $0x1000  }
0xdc: {  	[sflag:s19] =	ssyncset.done $0x0  }
0xdd: {  	s1 =	rddreg [dreg:$0x10];
	[sflag:s19] =	ssyncadd.s32 $0xFFFFF000  }
0xde: {  	[hbm4b:s1+s2] =	stream.linear.scatter [tilespmem:s10], [sflag:$0x11], $0x1000, $0x38;
	[tilespmem:$0x8100] =	vst v63  }
0xdf: {  	_ =	swait.ge [sflag:s18], $0x1000  }
0xe0: {  	[sflag:s18] =	ssyncset.done $0x0  }
0xe1: {  	s1 =	rddreg [dreg:$0x11];
	[sflag:s18] =	ssyncadd.s32 $0xFFFFF000  }
0xe2: {  	[hbm4b:s1+s2] =	stream.linear.scatter [tilespmem:s9], [sflag:$0x11], $0x1000, $0x38;
	[tilespmem:$0x8100] =	vst v63  }
0xe3: {  	_ =	swait.ge [sflag:s17], $0x1000  }
0xe4: {  	[sflag:s17] =	ssyncset.done $0x0  }
0xe5: {  	s1 =	rddreg [dreg:$0x12];
	[sflag:s17] =	ssyncadd.s32 $0xFFFFF000  }
0xe6: {  	[hbm4b:s1+s2] =	stream.linear.scatter [tilespmem:s8], [sflag:$0x11], $0x1000, $0x38;
	[tilespmem:$0x8100] =	vst v63  }
0xe7: {  	_ =	swait.ge [sflag:s15], $0x1000  }
0xe8: {  	[sflag:s15] =	ssyncset.done $0x0  }
0xe9: {  	s1 =	rddreg [dreg:$0x13];
	[sflag:s15] =	ssyncadd.s32 $0xFFFFF000  }
0xea: {  	[hbm4b:s1+s2] =	stream.linear.scatter [tilespmem:s6], [sflag:$0x11], $0x1000, $0x38;
	[tilespmem:$0x8100] =	vst v63  }
0xeb: {  	_ =	swait.ge [sflag:s14], $0x1000  }
0xec: {  	[sflag:s14] =	ssyncset.done $0x0  }
0xed: {  	s1 =	rddreg [dreg:$0x14];
	[sflag:s14] =	ssyncadd.s32 $0xFFFFF000  }
0xee: {  	[hbm4b:s1+s2] =	stream.linear.scatter [tilespmem:s5], [sflag:$0x11], $0x1000, $0x38;
	[tilespmem:$0x8100] =	vst v63  }
0xef: {  	_ =	swait.ge [sflag:s13], $0x1000  }
0xf0: {  	[sflag:s13] =	ssyncset.done $0x0  }
0xf1: {  	s1 =	rddreg [dreg:$0x15];
	[sflag:s13] =	ssyncadd.s32 $0xFFFFF000  }
0xf2: {  	[hbm4b:s1+s2] =	stream.linear.scatter [tilespmem:s4], [sflag:$0x11], $0x1000, $0x38;
	[tilespmem:$0x8100] =	vst v63  }
0xf3: {  	_ =	swait.ge [sflag:s7], $0x1000  }
0xf4: {  	[sflag:s7] =	ssyncset.done $0x0  }
0xf5: {  	[sflag:s7] =	ssyncadd.s32 $0xFFFFF000  }
0xf6: {  	_ =	swait.ge [sflag:s7], $0x1000  }
0xf7: {  	[sflag:s7] =	ssyncset.done $0x0  }
0xf8: {  	[sflag:s7] =	ssyncadd.s32 $0xFFFFF000  }
0xf9: {  	_ =	swait.ge [sflag:s7], $0x1000  }
0xfa: {  	[sflag:s7] =	ssyncset.done $0x0  }
0xfb: {  	[sflag:s7] =	ssyncadd.s32 $0xFFFFF000  }
0xfc: {  	_ =	swait.ge [sflag:s7], $0x1000  }
0xfd: {  	[sflag:s7] =	ssyncset.done $0x0  }
0xfe: {  	[sflag:s7] =	ssyncadd.s32 $0xFFFFF000  }
0xff: {  	_ =	swait.ge [sflag:s7], $0x1000  }
0x100: {  	[sflag:s7] =	ssyncset.done $0x0  }
0x101: {  	[sflag:s7] =	ssyncadd.s32 $0xFFFFF000  }
0x102: {  	_ =	swait.ge [sflag:s7], $0x1000  }
0x103: {  	[sflag:s7] =	ssyncset.done $0x0  }
0x104: {  	p1 =	sne.s32 s0, $0x1;
	[sflag:s7] =	ssyncadd.s32 $0xFFFFF000  }
.Ltmp2:
0x105: {  	_ =	swait.ge [sflag:s7], $0x1000;
	(pc) =	sbr.rel @p1 .LBB2_2-.Ltmp2, $4  }
0x106: {  	[sflag:s7] =	ssyncset.done $0x0  }
0x107: {  	[sflag:s7] =	ssyncadd.s32 $0xFFFFF000  }
0x108: {  	_ =	swait.ge [sflag:s7], $0x1000  }
0x109: {  	s0 =	sadd.s32 $0xFFFFFFFF, s0;
	s1 =	rddreg [dreg:$0x5];
	[sflag:s7] =	ssyncset.done $0x0  }
.LBB2_3:
0x10a: {  	[sflag:s7] =	ssyncadd.s32 @p0 $0xFFFFF000  }
0x10b: {  	[tilespmem:s2], [sflag:$0x12] =	stream.linear.gather [hbm4b:s1+s2], $0x100, $0x38;
	[tilespmem:$0x8100] =	vst v63  }
0x10c: {  	s0 =	rddreg [dreg:$0x6]  }
0x10d: {  	[tilespmem:s12], [sflag:$0x1] =	stream.linear.gather [hbm4b:s0+s2], $0x1000, $0x38;
	[tilespmem:$0x8100] =	vst v63  }
0x10e: {  	s1 =	rddreg [dreg:$0x7]  }
0x10f: {  	[tilespmem:s11], [sflag:$0x2] =	stream.linear.gather [hbm4b:s1+s2], $0x1000, $0x38;
	[tilespmem:$0x8100] =	vst v63  }
0x110: {  	s0 =	rddreg [dreg:$0x8]  }
0x111: {  	[tilespmem:s10], [sflag:$0x3] =	stream.linear.gather [hbm4b:s0+s2], $0x1000, $0x38;
	[tilespmem:$0x8100] =	vst v63  }
0x112: {  	s1 =	rddreg [dreg:$0x9]  }
0x113: {  	[tilespmem:s9], [sflag:$0x4] =	stream.linear.gather [hbm4b:s1+s2], $0x1000, $0x38;
	[tilespmem:$0x8100] =	vst v63  }
0x114: {  	s0 =	rddreg [dreg:$0xa]  }
0x115: {  	[tilespmem:s8], [sflag:$0x5] =	stream.linear.gather [hbm4b:s0+s2], $0x1000, $0x38;
	[tilespmem:$0x8100] =	vst v63  }
0x116: {  	s1 =	rddreg [dreg:$0xb]  }
0x117: {  	[tilespmem:s6], [sflag:$0x6] =	stream.linear.gather [hbm4b:s1+s2], $0x1000, $0x38;
	[tilespmem:$0x8100] =	vst v63  }
0x118: {  	s0 =	rddreg [dreg:$0xc]  }
0x119: {  	[tilespmem:s5], [sflag:$0x7] =	stream.linear.gather [hbm4b:s0+s2], $0x1000, $0x38;
	[tilespmem:$0x8100] =	vst v63  }
0x11a: {  	s1 =	rddreg [dreg:$0xd]  }
0x11b: {  	[tilespmem:s4], [sflag:$0x8] =	stream.linear.gather [hbm4b:s1+s2], $0x1000, $0x38;
	[tilespmem:$0x8100] =	vst v63  }
0x11c: {  	_ =	swait.ge [sflag:s31], $0x100  }
0x11d: {  	[sflag:s31] =	ssyncset.done $0x0  }
0x11e: {  	[sflag:s31] =	ssyncadd.s32 $0xFFFFFF00  }
0x11f: {  	_ =	swait.ge [sflag:s30], $0x1000  }
0x120: {  	[sflag:s30] =	ssyncset.done $0x0  }
0x121: {  	[sflag:s30] =	ssyncadd.s32 $0xFFFFF000  }
0x122: {  	[tilespmem:s12], [sflag:$0x9] =	stream.indirect.gather.add.f32 [hbm:s3], $0x80, s2, s16, $0xb8;
	[tilespmem:$0x8100] =	vst v63  }
0x123: {  	_ =	swait.ge [sflag:s29], $0x1000  }
0x124: {  	[sflag:s29] =	ssyncset.done $0x0  }
0x125: {  	[sflag:s29] =	ssyncadd.s32 $0xFFFFF000  }
0x126: {  	[tilespmem:s11], [sflag:$0xA] =	stream.indirect.gather.add.f32 [hbm:s3], $0x80, s16, s16, $0xb8;
	[tilespmem:$0x8100] =	vst v63  }
0x127: {  	_ =	swait.ge [sflag:s28], $0x1000  }
0x128: {  	[sflag:s28] =	ssyncset.done $0x0  }
0x129: {  	s1 =	rddreg [dreg:$0x16];
	[sflag:s28] =	ssyncadd.s32 $0xFFFFF000  }
0x12a: {  	[tilespmem:s10], [sflag:$0xB] =	stream.indirect.gather.add.f32 [hbm:s3], $0x80, s1, s16, $0xb8;
	[tilespmem:$0x8100] =	vst v63  }
0x12b: {  	_ =	swait.ge [sflag:s26], $0x1000  }
0x12c: {  	[sflag:s26] =	ssyncset.done $0x0  }
0x12d: {  	s28 =	rddreg [dreg:$0x17];
	[sflag:s26] =	ssyncadd.s32 $0xFFFFF000  }
0x12e: {  	[tilespmem:s9], [sflag:$0xC] =	stream.indirect.gather.add.f32 [hbm:s3], $0x80, s28, s16, $0xb8;
	[tilespmem:$0x8100] =	vst v63  }
0x12f: {  	_ =	swait.ge [sflag:s25], $0x1000  }
0x130: {  	[sflag:s25] =	ssyncset.done $0x0  }
0x131: {  	s29 =	rddreg [dreg:$0x18];
	[sflag:s25] =	ssyncadd.s32 $0xFFFFF000  }
0x132: {  	[tilespmem:s8], [sflag:$0xD] =	stream.indirect.gather.add.f32 [hbm:s3], $0x80, s29, s16, $0xb8;
	[tilespmem:$0x8100] =	vst v63  }
0x133: {  	_ =	swait.ge [sflag:s24], $0x1000  }
0x134: {  	[sflag:s24] =	ssyncset.done $0x0  }
0x135: {  	s30 =	rddreg [dreg:$0x19];
	[sflag:s24] =	ssyncadd.s32 $0xFFFFF000  }
0x136: {  	[tilespmem:s6], [sflag:$0xE] =	stream.indirect.gather.add.f32 [hbm:s3], $0x80, s30, s16, $0xb8;
	[tilespmem:$0x8100] =	vst v63  }
0x137: {  	_ =	swait.ge [sflag:s23], $0x1000  }
0x138: {  	[sflag:s23] =	ssyncset.done $0x0  }
0x139: {  	s31 =	rddreg [dreg:$0x1a];
	[sflag:s23] =	ssyncadd.s32 $0xFFFFF000  }
0x13a: {  	[tilespmem:s5], [sflag:$0xF] =	stream.indirect.gather.add.f32 [hbm:s3], $0x80, s31, s16, $0xb8;
	[tilespmem:$0x8100] =	vst v63  }
0x13b: {  	_ =	swait.ge [sflag:s22], $0x1000  }
0x13c: {  	[sflag:s22] =	ssyncset.done $0x0  }
0x13d: {  	s1 =	rddreg [dreg:$0x1b];
	[sflag:s22] =	ssyncadd.s32 $0xFFFFF000  }
0x13e: {  	[tilespmem:s4], [sflag:$0x10] =	stream.indirect.gather.add.f32 [hbm:s3], $0x80, s1, s16, $0xb8;
	[tilespmem:$0x8100] =	vst v63  }
0x13f: {  	_ =	swait.ge [sflag:s21], $0x1000  }
0x140: {  	[sflag:s21] =	ssyncset.done $0x0  }
0x141: {  	s22 =	rddreg [dreg:$0xe];
	[sflag:s21] =	ssyncadd.s32 $0xFFFFF000  }
0x142: {  	[hbm4b:s22+s2] =	stream.linear.scatter [tilespmem:s12], [sflag:$0x11], $0x1000, $0x38;
	[tilespmem:$0x8100] =	vst v63  }
0x143: {  	_ =	swait.ge [sflag:s20], $0x1000  }
0x144: {  	[sflag:s20] =	ssyncset.done $0x0  }
0x145: {  	s23 =	rddreg [dreg:$0xf];
	[sflag:s20] =	ssyncadd.s32 $0xFFFFF000  }
0x146: {  	[hbm4b:s23+s2] =	stream.linear.scatter [tilespmem:s11], [sflag:$0x11], $0x1000, $0x38;
	[tilespmem:$0x8100] =	vst v63  }
0x147: {  	_ =	swait.ge [sflag:s19], $0x1000  }
0x148: {  	[sflag:s19] =	ssyncset.done $0x0  }
0x149: {  	s24 =	rddreg [dreg:$0x10];
	[sflag:s19] =	ssyncadd.s32 $0xFFFFF000  }
0x14a: {  	[hbm4b:s24+s2] =	stream.linear.scatter [tilespmem:s10], [sflag:$0x11], $0x1000, $0x38;
	[tilespmem:$0x8100] =	vst v63  }
0x14b: {  	_ =	swait.ge [sflag:s18], $0x1000  }
0x14c: {  	[sflag:s18] =	ssyncset.done $0x0  }
0x14d: {  	s25 =	rddreg [dreg:$0x11];
	[sflag:s18] =	ssyncadd.s32 $0xFFFFF000  }
0x14e: {  	[hbm4b:s25+s2] =	stream.linear.scatter [tilespmem:s9], [sflag:$0x11], $0x1000, $0x38;
	[tilespmem:$0x8100] =	vst v63  }
0x14f: {  	_ =	swait.ge [sflag:s17], $0x1000  }
0x150: {  	[sflag:s17] =	ssyncset.done $0x0  }
0x151: {  	s26 =	rddreg [dreg:$0x12];
	[sflag:s17] =	ssyncadd.s32 $0xFFFFF000  }
0x152: {  	[hbm4b:s26+s2] =	stream.linear.scatter [tilespmem:s8], [sflag:$0x11], $0x1000, $0x38;
	[tilespmem:$0x8100] =	vst v63  }
0x153: {  	_ =	swait.ge [sflag:s15], $0x1000  }
0x154: {  	[sflag:s15] =	ssyncset.done $0x0  }
0x155: {  	s28 =	rddreg [dreg:$0x13];
	[sflag:s15] =	ssyncadd.s32 $0xFFFFF000  }
0x156: {  	[hbm4b:s28+s2] =	stream.linear.scatter [tilespmem:s6], [sflag:$0x11], $0x1000, $0x38;
	[tilespmem:$0x8100] =	vst v63  }
0x157: {  	_ =	swait.ge [sflag:s14], $0x1000  }
0x158: {  	[sflag:s14] =	ssyncset.done $0x0  }
0x159: {  	s29 =	rddreg [dreg:$0x14];
	[sflag:s14] =	ssyncadd.s32 $0xFFFFF000  }
0x15a: {  	[hbm4b:s29+s2] =	stream.linear.scatter [tilespmem:s5], [sflag:$0x11], $0x1000, $0x38;
	[tilespmem:$0x8100] =	vst v63  }
0x15b: {  	_ =	swait.ge [sflag:s13], $0x1000  }
0x15c: {  	[sflag:s13] =	ssyncset.done $0x0  }
0x15d: {  	s30 =	rddreg [dreg:$0x15];
	[sflag:s13] =	ssyncadd.s32 $0xFFFFF000  }
0x15e: {  	[hbm4b:s30+s2] =	stream.linear.scatter [tilespmem:s4], [sflag:$0x11], $0x1000, $0x38;
	[tilespmem:$0x8100] =	vst v63  }
0x15f: {  	_ =	swait.ge [sflag:s7], $0x1000  }
0x160: {  	[sflag:s7] =	ssyncset.done $0x0  }
0x161: {  	[sflag:s7] =	ssyncadd.s32 $0xFFFFF000  }
0x162: {  	_ =	swait.ge [sflag:s7], $0x1000  }
0x163: {  	[sflag:s7] =	ssyncset.done $0x0  }
0x164: {  	[sflag:s7] =	ssyncadd.s32 $0xFFFFF000  }
0x165: {  	_ =	swait.ge [sflag:s7], $0x1000  }
0x166: {  	[sflag:s7] =	ssyncset.done $0x0  }
0x167: {  	[sflag:s7] =	ssyncadd.s32 $0xFFFFF000  }
0x168: {  	_ =	swait.ge [sflag:s7], $0x1000  }
0x169: {  	[sflag:s7] =	ssyncset.done $0x0  }
0x16a: {  	[sflag:s7] =	ssyncadd.s32 $0xFFFFF000  }
0x16b: {  	_ =	swait.ge [sflag:s7], $0x1000  }
0x16c: {  	[sflag:s7] =	ssyncset.done $0x0  }
0x16d: {  	[sflag:s7] =	ssyncadd.s32 $0xFFFFF000  }
0x16e: {  	_ =	swait.ge [sflag:s7], $0x1000  }
0x16f: {  	[sflag:s7] =	ssyncset.done $0x0  }
0x170: {  	[sflag:s7] =	ssyncadd.s32 $0xFFFFF000  }
0x171: {  	_ =	swait.ge [sflag:s7], $0x1000  }
0x172: {  	[sflag:s7] =	ssyncset.done $0x0  }
0x173: {  	[sflag:s7] =	ssyncadd.s32 $0xFFFFF000  }
0x174: {  	_ =	swait.ge [sflag:s7], $0x1000  }
0x175: {  	[sflag:s7] =	ssyncset.done $0x0  }
0x176: {  	[sflag:s7] =	ssyncadd.s32 $0xFFFFF000  }
0x177: {  	_ =	sfence.sel $0x180000  }
0x178: {  	[bflag:$0x0] =	sbarrier.arrive $0xFFFF  }
0x179: {  	_ =	strace $0x90000047  }
0x17a: {  	s31 =	stileid.u32;
	[bflag:$0x2] =	sbarrier.arrive $0xFFFF  }
0x17b: {  	p0 =	sne.s32 s31, $0x0;
	s0 =	rddreg [dreg:$0x4]  }
0x17c: {  	s0 =	sadd.s32 @!p0 $0x100000, s0  }
0x17d: {  	[sflag:s0] =	ssyncadd.tile.s32 @!p0 $0x1;
	_ =	shalt  }
.Lfunc_end2:
_tile_overlayer_lowered:
.L_overlay_start_2:
0x17e: {  	(tag) =	ssettag $0x2  }
0x17f: {  	s0 =	rddreg [dreg:$0x0];
	s2 =	stileid.u32  }
0x180: {  	s1 =	rddreg [dreg:$0x1];
	p0 =	sne.s32 s2, $0x0  }
0x181: {  	s3 =	rddreg [dreg:$0x2];
	[bflag:$0x3] =	sbarrier.arrive $0xFFFF;
	s2 =	simm.s32 @!p0 $0x1C13  }
0x182: {  	[timem:s3], [sflag:s2] =	dma.local @!p0 [hbm:s0], s1  }
0x183: {  	s0 =	simm.s32 @!p0 $0x13  }
0x184: {  	_ =	swait.ge @!p0 [sflag:s0], s1  }
0x185: {  	s1 =	ssub.s32 @!p0 $0x0, s1;
	[sflag:s0] =	ssyncset.done @!p0 $0x0  }
0x186: {  	[sflag:s0] =	ssyncadd.s32 @!p0 s1  }
0x187: {  	[bflag:$0x3] =	sbarrier.arrive $0xFFFF  }
0x188: {  	_ =	shalt  }

</sc_bundles>
